<compile_context>
chip_gen: v7x
topology: tpu7x:2x2x1
jax: 0.10.2.dev20260603
libtpu: 0.0.44.dev20260713+nightly
codegen_flags: <defaults>
</compile_context>

<pallas_src>
import jax
import jax.numpy as jnp
from jax import lax
from jax.experimental import pallas as pl
from jax.experimental.pallas import tpu as pltpu
from jax.experimental.pallas import tpu_sc as plsc

_BN_EPS = 1e-5
_N_VOX = 100000
_C_IN = 128
_N_CLS = 10
_KV = 5000
_BLK_V = 8192

_N_FLAT = _N_VOX * _N_CLS
_NW = 32
_NS = 16
_SLICE = 31264
_NVREG = _SLICE // 16
_N_PAD = _NW * _SLICE
_NBKT = 1024
_CAP = 1024
_CBUF = _CAP + 16



def _dense_body(vf_ref, w1_ref, b1_ref, g_ref, bt_ref, mu_ref, var_ref,
                w2_ref, b2_ref, out_ref):
    x = jnp.dot(vf_ref[...], w1_ref[...])
    x = x + b1_ref[...]
    x = g_ref[...] * (x - mu_ref[...]) / jnp.sqrt(var_ref[...] + _BN_EPS) + bt_ref[...]
    x = jnp.maximum(x, 0.0)
    z = jax.lax.dot_general(w2_ref[...], x, (((0,), (1,)), ((), ())))
    out_ref[...] = z + b2_ref[...]


def _dense_logits_t(vf, W1, b1, g, bt, mu, var, W2p, b2p):
    nblk = pl.cdiv(_N_VOX, _BLK_V)
    return pl.pallas_call(
        _dense_body,
        grid=(nblk,),
        in_specs=[
            pl.BlockSpec((_BLK_V, _C_IN), lambda i: (i, 0)),
            pl.BlockSpec((_C_IN, _C_IN), lambda i: (0, 0)),
            pl.BlockSpec((1, _C_IN), lambda i: (0, 0)),
            pl.BlockSpec((1, _C_IN), lambda i: (0, 0)),
            pl.BlockSpec((1, _C_IN), lambda i: (0, 0)),
            pl.BlockSpec((1, _C_IN), lambda i: (0, 0)),
            pl.BlockSpec((1, _C_IN), lambda i: (0, 0)),
            pl.BlockSpec((_C_IN, 16), lambda i: (0, 0)),
            pl.BlockSpec((16, 1), lambda i: (0, 0)),
        ],
        out_specs=pl.BlockSpec((16, _BLK_V), lambda i: (0, i)),
        out_shape=jax.ShapeDtypeStruct((16, _N_VOX), jnp.float32),
    )(vf, W1, b1, g, bt, mu, var, W2p, b2p)



def _topk_body(s_hbm, out_v, out_i, sl_ref, lha_ref, lhb_ref, tot_ref,
               hbuf_ref, cv_ref, ci_ref, shared_ref):
    sid = lax.axis_index("s")
    w = lax.axis_index("c") * _NS + sid
    base = w * _SLICE
    pltpu.sync_copy(s_hbm.at[pl.ds(base, _SLICE)], sl_ref)
    lanes = lax.iota(jnp.int32, 16) * _NBKT

    def zero_h(j, _):
        lha_ref[pl.ds(j * 16, 16)] = jnp.zeros((16,), jnp.int32)
        lhb_ref[pl.ds(j * 16, 16)] = jnp.zeros((16,), jnp.int32)
        return 0
    lax.fori_loop(0, (_NBKT * 16) // 16, zero_h, 0)

    def acc(j, _):
        v = sl_ref[pl.ds(j * 32, 16)]
        b = jnp.minimum((v * float(_NBKT)).astype(jnp.int32), _NBKT - 1)
        idx = lanes + b
        cur = plsc.load_gather(lha_ref, [idx])
        plsc.store_scatter(lha_ref, [idx], cur + 1)
        v2 = sl_ref[pl.ds(j * 32 + 16, 16)]
        b2 = jnp.minimum((v2 * float(_NBKT)).astype(jnp.int32), _NBKT - 1)
        idx2 = lanes + b2
        cur2 = plsc.load_gather(lhb_ref, [idx2])
        plsc.store_scatter(lhb_ref, [idx2], cur2 + 1)
        return 0
    lax.fori_loop(0, _NVREG // 2, acc, 0)

    def red(j, _):
        t = lha_ref[pl.ds(j * 16, 16)] + lhb_ref[pl.ds(j * 16, 16)]
        for l in range(1, 16):
            t = t + lha_ref[pl.ds(l * _NBKT + j * 16, 16)]
            t = t + lhb_ref[pl.ds(l * _NBKT + j * 16, 16)]
        tot_ref[pl.ds(j * 16, 16)] = t
        return 0
    lax.fori_loop(0, _NBKT // 16, red, 0)

    pltpu.sync_copy(tot_ref, shared_ref.at[pl.ds(sid * _NBKT, _NBKT)])
    plsc.subcore_barrier()
    pltpu.sync_copy(shared_ref, hbuf_ref)

    def merge(j, _):
        t = hbuf_ref[pl.ds(j * 16, 16)]
        for r in range(1, _NS):
            t = t + hbuf_ref[pl.ds(r * _NBKT + j * 16, 16)]
        tot_ref[pl.ds(j * 16, 16)] = t
        return 0
    lax.fori_loop(0, _NBKT // 16, merge, 0)

    def sweep(i, carry):
        above, bsel = carry
        c = (_NBKT // 16) - 1 - i
        h = tot_ref[pl.ds(c * 16, 16)]
        sfx = lax.rev(jnp.cumsum(lax.rev(h, (0,))), (0,)) + above
        idxv = lax.iota(jnp.int32, 16) + c * 16
        m = jnp.max(jnp.where(sfx >= _KV, idxv, -1))
        return above + jnp.sum(h), jnp.maximum(bsel, m)
    _, bsel = lax.fori_loop(0, _NBKT // 16, sweep,
                            (jnp.int32(0), jnp.int32(-1)))
    bsel = jnp.maximum(bsel, 0)

    def zero_c(j, _):
        cv_ref[pl.ds(j * 16, 16)] = jnp.zeros((16,), jnp.float32)
        ci_ref[pl.ds(j * 16, 16)] = jnp.zeros((16,), jnp.int32)
        return 0
    lax.fori_loop(0, _CBUF // 16, zero_c, 0)

    iota16 = lax.iota(jnp.int32, 16)

    def comp(j, o):
        v = sl_ref[pl.ds(j * 16, 16)]
        b = jnp.minimum((v * float(_NBKT)).astype(jnp.int32), _NBKT - 1)
        g = base + j * 16 + iota16
        m = (b >= bsel) & (g < _N_FLAT) & (o < _CAP - 15)
        cnt = jnp.reshape(
            lax.slice(plsc.all_reduce_population_count(m), (0,), (1,)), ())
        plsc.store_compressed(cv_ref.at[pl.ds(o, 16)], v, mask=m)
        plsc.store_compressed(ci_ref.at[pl.ds(o, 16)], g, mask=m)
        return o + cnt
    lax.fori_loop(0, _NVREG, comp, jnp.int32(0))

    pltpu.sync_copy(cv_ref.at[pl.ds(0, _CAP)], out_v.at[w])
    pltpu.sync_copy(ci_ref.at[pl.ds(0, _CAP)], out_i.at[w])


def _sc_topk_candidates(s_pad):
    mesh = plsc.VectorSubcoreMesh(core_axis_name="c", subcore_axis_name="s",
                                  num_cores=2, num_subcores=_NS)
    return pl.kernel(
        _topk_body,
        out_type=(jax.ShapeDtypeStruct((_NW, _CAP), jnp.float32),
                  jax.ShapeDtypeStruct((_NW, _CAP), jnp.int32)),
        mesh=mesh,
        compiler_params=pltpu.CompilerParams(needs_layout_passes=False),
        scratch_types=[
            pltpu.VMEM((_SLICE,), jnp.float32),
            pltpu.VMEM((_NBKT * 16,), jnp.int32),
            pltpu.VMEM((_NBKT * 16,), jnp.int32),
            pltpu.VMEM((_NBKT,), jnp.int32),
            pltpu.VMEM((_NBKT * _NS,), jnp.int32),
            pltpu.VMEM((_CBUF,), jnp.float32),
            pltpu.VMEM((_CBUF,), jnp.int32),
            pltpu.VMEM_SHARED((_NBKT * _NS,), jnp.int32),
        ],
    )(s_pad)



def kernel(voxel_features, voxel_indices, W1, b1, bn_gamma, bn_beta,
           bn_mean, bn_var, W2, b2):
    del voxel_indices
    W2p = jnp.zeros((_C_IN, 16), jnp.float32).at[:, :_N_CLS].set(W2)
    b2p = jnp.zeros((16, 1), jnp.float32).at[:_N_CLS, 0].set(b2)
    zT = _dense_logits_t(voxel_features, W1, b1.reshape(1, -1),
                         bn_gamma.reshape(1, -1), bn_beta.reshape(1, -1),
                         bn_mean.reshape(1, -1), bn_var.reshape(1, -1),
                         W2p, b2p)
    sT = jax.nn.sigmoid(jax.lax.stop_gradient(zT))
    flat = sT[:_N_CLS].T.reshape(-1)
    s_pad = jnp.concatenate(
        [flat, jnp.zeros((_N_PAD - _N_FLAT,), jnp.float32)])
    cand_v, cand_i = _sc_topk_candidates(s_pad)
    top_vals, pos = jax.lax.top_k(cand_v.reshape(-1), _KV)
    top_idx = cand_i.reshape(-1)[pos]
    return top_vals, top_idx, top_idx // _N_CLS, top_idx % _N_CLS

# --- scband reference (transcript-rebuilt; emitter-appended) ---
"""Pipeline reference for scband-sparse-trans-fusion-head1-44349832299023 (READ-ONLY COPY).

The authoritative reference and input builder live on the scoring server;
editing this copy changes nothing except your own understanding.
"""

import jax, jax.numpy as jnp
import numpy as np

KV_NUMS = 5000
N_VOX = 100000
C_IN = 128
N_CLS = 10
BN_EPS = 1e-5


def setup_inputs(seed: int = 0) -> dict:
    key = jax.random.key(seed)
    ks = jax.random.split(key, 8)
    voxel_features = jax.random.normal(ks[0], (N_VOX, C_IN), dtype=jnp.float32)
    voxel_indices = jax.random.randint(ks[1], (N_VOX, 3), 0, 180, dtype=jnp.int32)
    # heatmap_head layer 0: SubMConv2d(128,128,k=1) == per-voxel linear, then BN1d + ReLU
    W1 = jax.random.normal(ks[2], (C_IN, C_IN), dtype=jnp.float32) * 0.05
    b1 = jnp.zeros((C_IN,), dtype=jnp.float32)
    bn_gamma = jnp.ones((C_IN,), dtype=jnp.float32)
    bn_beta = jnp.zeros((C_IN,), dtype=jnp.float32)
    bn_mean = jnp.zeros((C_IN,), dtype=jnp.float32)
    bn_var = jnp.ones((C_IN,), dtype=jnp.float32)
    # heatmap_head layer 1: SubMConv2d(128,10,k=1) == per-voxel linear (hm output, bias init -2.19)
    W2 = jax.random.normal(ks[3], (C_IN, N_CLS), dtype=jnp.float32) * 0.05
    b2 = jnp.full((N_CLS,), -2.19, dtype=jnp.float32)
    return {
        "voxel_features": voxel_features,
        "voxel_indices": voxel_indices,
        "W1": W1, "b1": b1,
        "bn_gamma": bn_gamma, "bn_beta": bn_beta,
        "bn_mean": bn_mean, "bn_var": bn_var,
        "W2": W2, "b2": b2,
    }


def reference(voxel_features, voxel_indices, W1, b1, bn_gamma, bn_beta, bn_mean, bn_var, W2, b2):
    # heatmap_head: 1x1 submanifold conv acts per active voxel (pure feature linear)
    x = voxel_features @ W1 + b1
    x = bn_gamma * (x - bn_mean) / jnp.sqrt(bn_var + BN_EPS) + bn_beta
    x = jax.nn.relu(x)
    dense_heatmap = x @ W2 + b2
    # heatmap = dense_heatmap.features.detach().sigmoid()
    heatmap = jax.nn.sigmoid(jax.lax.stop_gradient(dense_heatmap))
    # single sample in batch: num_voxels = [N_VOX]; flatten, descending argsort, keep top kv_nums
    flat = heatmap.reshape(-1)
    top_vals, top_flat_idx = jax.lax.top_k(flat, KV_NUMS)
    # top proposal voxel ids + class ids (NMS-style proposal selection over sparse heatmap)
    top_voxel = top_flat_idx // N_CLS
    top_cls = top_flat_idx % N_CLS
    return top_vals, top_flat_idx, top_voxel, top_cls

if __name__ == "__main__":
    import jax
    _d = setup_inputs()
    print(jax.jit(kernel)(*tuple(_d.values())))

</pallas_src>

<mosaic_0001>
#map = affine_map<(d0, d1) -> (0)>
#map1 = affine_map<(d0, d1) -> (0, 0)>
module attributes {stable_mosaic.version = 14 : i64} {
  func.func @_topk_body(%arg0: i32, %arg1: i32, %arg2: memref<1000448xf32, #tpu.memory_space<hbm>>, %arg3: memref<32x1024xf32, #tpu.memory_space<hbm>>, %arg4: memref<32x1024xi32, #tpu.memory_space<hbm>>, %arg5: memref<31264xf32, #tpu.memory_space<vmem>>, %arg6: memref<16384xi32, #tpu.memory_space<vmem>>, %arg7: memref<16384xi32, #tpu.memory_space<vmem>>, %arg8: memref<1024xi32, #tpu.memory_space<vmem>>, %arg9: memref<16384xi32, #tpu.memory_space<vmem>>, %arg10: memref<1040xf32, #tpu.memory_space<vmem>>, %arg11: memref<1040xi32, #tpu.memory_space<vmem>>, %arg12: memref<16384xi32, #tpu.memory_space<vmem_shared>>) attributes {dimension_semantics = [#tpu.dimension_semantics<core_parallel>, #tpu.dimension_semantics<subcore_parallel>], iteration_bounds = array<i64: 2, 16>, scalar_prefetch = 0 : i64, scratch_operands = 8 : i64, tpu.core_type = #tpu.core_type<sc_vector_subcore>, window_params = [{transform_indices = #map}, {transform_indices = #map1}, {transform_indices = #map1}]} {
    %mul3A = arith.constant 16 : i32
    %mul3A_0 = arith.muli %arg0, %mul3A : i32
    %add3A = arith.addi %mul3A_0, %arg1 : i32
    %mul3A_1 = arith.constant 31264 : i32
    %mul3A_2 = arith.muli %add3A, %mul3A_1 : i32
    "tpu.region"() ({
      %run_scoped3A = tpu.sem_alloc : memref<!tpu.dma_semaphore, #tpu.memory_space<semaphore_mem>>
      %dma_start3A = tpu.memref_slice %arg2[%mul3A_2] : memref<1000448xf32, #tpu.memory_space<hbm>> -> memref<31264xf32, #tpu.memory_space<hbm>>
      %dma_start3A_59 = tpu.memref_slice %arg2[%mul3A_2] : memref<1000448xf32, #tpu.memory_space<hbm>> -> memref<31264xf32, #tpu.memory_space<hbm>>
      tpu.enqueue_dma source(%dma_start3A_59 : memref<31264xf32, #tpu.memory_space<hbm>>) target(%arg5 : memref<31264xf32, #tpu.memory_space<vmem>>) target_semaphore(%run_scoped3A : memref<!tpu.dma_semaphore, #tpu.memory_space<semaphore_mem>>)
      %dma_wait3A = tpu.memref_slice %arg2[%mul3A_2] : memref<1000448xf32, #tpu.memory_space<hbm>> -> memref<31264xf32, #tpu.memory_space<hbm>>
      %dma_wait3A_60 = tpu.memref_slice %arg2[%mul3A_2] : memref<1000448xf32, #tpu.memory_space<hbm>> -> memref<31264xf32, #tpu.memory_space<hbm>>
      tpu.wait_dma2 semaphore(%run_scoped3A : memref<!tpu.dma_semaphore, #tpu.memory_space<semaphore_mem>>) src(%dma_wait3A_60 : memref<31264xf32, #tpu.memory_space<hbm>>) dst(%arg5 : memref<31264xf32, #tpu.memory_space<vmem>>)
      tpu.yield
    }) : () -> ()
    %iota3A = tpu.iota {dimensions = array<i32: 0>} : vector<16xi32>
    %mul3A_3 = arith.constant 1024 : i32
    %mul3A_4 = vector.broadcast %mul3A_3 : i32 to vector<16xi32>
    %mul3A_5 = arith.muli %iota3A, %mul3A_4 : vector<16xi32>
    %scan3A = arith.constant 0 : i32
    %scan3A_6 = arith.constant 0 : i32
    %scan3A_7 = arith.constant 1024 : i32
    %scan3A_8 = arith.addi %scan3A_6, %scan3A_7 : i32
    %scan3A_9 = arith.constant 1 : i32
    %scan3A_10 = scf.for %scan3A_59 = %scan3A_6 to %scan3A_8 step %scan3A_9 iter_args(%scan3A_60 = %scan3A) -> (i32)  : i32 {
      %broadcast_in_dim3A = arith.constant 0 : i32
      %broadcast_in_dim3A_61 = vector.broadcast %broadcast_in_dim3A : i32 to vector<16xi32>
      %mul3A_62 = arith.constant 16 : i32
      %mul3A_63 = arith.muli %scan3A_59, %mul3A_62 : i32
      %swap3A = arith.index_cast %mul3A_63 : i32 to index
      %swap3A_64 = tpu.vector_load %arg6[%swap3A] {strides = array<i32>} : memref<16384xi32, #tpu.memory_space<vmem>>, vector<16xi32>,
      tpu.vector_store %arg6[%swap3A], %broadcast_in_dim3A_61 {strides = array<i32>} : memref<16384xi32, #tpu.memory_space<vmem>>, vector<16xi32>,
      %broadcast_in_dim3A_65 = arith.constant 0 : i32
      %broadcast_in_dim3A_66 = vector.broadcast %broadcast_in_dim3A_65 : i32 to vector<16xi32>
      %mul3A_67 = arith.constant 16 : i32
      %mul3A_68 = arith.muli %scan3A_59, %mul3A_67 : i32
      %swap3A_69 = arith.index_cast %mul3A_68 : i32 to index
      %swap3A_70 = tpu.vector_load %arg7[%swap3A_69] {strides = array<i32>} : memref<16384xi32, #tpu.memory_space<vmem>>, vector<16xi32>,
      tpu.vector_store %arg7[%swap3A_69], %broadcast_in_dim3A_66 {strides = array<i32>} : memref<16384xi32, #tpu.memory_space<vmem>>, vector<16xi32>,
      %scan3A_71 = arith.constant 0 : i32
      scf.yield %scan3A_71 : i32
    }
    %scan3A_11 = arith.constant 1024 : i32
    %scan3A_12 = arith.constant 0 : i32
    %scan3A_13 = arith.constant 0 : i32
    %scan3A_14 = arith.constant 977 : i32
    %scan3A_15 = arith.addi %scan3A_13, %scan3A_14 : i32
    %scan3A_16 = arith.constant 1 : i32
    %scan3A_17 = scf.for %scan3A_59 = %scan3A_13 to %scan3A_15 step %scan3A_16 iter_args(%scan3A_60 = %scan3A_12) -> (i32)  : i32 {
      %mul3A_61 = arith.constant 32 : i32
      %mul3A_62 = arith.muli %scan3A_59, %mul3A_61 : i32
      %get3A = arith.index_cast %mul3A_62 : i32 to index
      %get3A_63 = tpu.vector_load %arg5[%get3A] {strides = array<i32>} : memref<31264xf32, #tpu.memory_space<vmem>>, vector<16xf32>,
      %mul3A_64 = arith.constant 1.024000e+03 : f32
      %mul3A_65 = vector.broadcast %mul3A_64 : f32 to vector<16xf32>
      %mul3A_66 = arith.mulf %get3A_63, %mul3A_65 : vector<16xf32>
      %convert_element_type3A = arith.fptosi %mul3A_66 : vector<16xf32> to vector<16xi32>
      %min3A = arith.constant 1023 : i32
      %min3A_67 = vector.broadcast %min3A : i32 to vector<16xi32>
      %min3A_68 = arith.minsi %convert_element_type3A, %min3A_67 : vector<16xi32>
      %add3A_69 = arith.addi %mul3A_5, %min3A_68 : vector<16xi32>
      %gather3A = tpu.vector_load_idx %arg6[%add3A_69] : memref<16384xi32, #tpu.memory_space<vmem>>[vector<16xi32>], vector<16xi32>,
      %add3A_70 = arith.constant 1 : i32
      %add3A_71 = vector.broadcast %add3A_70 : i32 to vector<16xi32>
      %add3A_72 = arith.addi %gather3A, %add3A_71 : vector<16xi32>
      tpu.vector_store_idx %arg6[%add3A_69], %add3A_72 : memref<16384xi32, #tpu.memory_space<vmem>>[vector<16xi32>], vector<16xi32>,
      %mul3A_73 = arith.constant 32 : i32
      %mul3A_74 = arith.muli %scan3A_59, %mul3A_73 : i32
      %add3A_75 = arith.constant 16 : i32
      %add3A_76 = arith.addi %mul3A_74, %add3A_75 : i32
      %get3A_77 = arith.index_cast %add3A_76 : i32 to index
      %get3A_78 = tpu.vector_load %arg5[%get3A_77] {strides = array<i32>} : memref<31264xf32, #tpu.memory_space<vmem>>, vector<16xf32>,
      %mul3A_79 = arith.constant 1.024000e+03 : f32
      %mul3A_80 = vector.broadcast %mul3A_79 : f32 to vector<16xf32>
      %mul3A_81 = arith.mulf %get3A_78, %mul3A_80 : vector<16xf32>
      %convert_element_type3A_82 = arith.fptosi %mul3A_81 : vector<16xf32> to vector<16xi32>
      %min3A_83 = arith.constant 1023 : i32
      %min3A_84 = vector.broadcast %min3A_83 : i32 to vector<16xi32>
      %min3A_85 = arith.minsi %convert_element_type3A_82, %min3A_84 : vector<16xi32>
      %add3A_86 = arith.addi %mul3A_5, %min3A_85 : vector<16xi32>
      %gather3A_87 = tpu.vector_load_idx %arg7[%add3A_86] : memref<16384xi32, #tpu.memory_space<vmem>>[vector<16xi32>], vector<16xi32>,
      %add3A_88 = arith.constant 1 : i32
      %add3A_89 = vector.broadcast %add3A_88 : i32 to vector<16xi32>
      %add3A_90 = arith.addi %gather3A_87, %add3A_89 : vector<16xi32>
      tpu.vector_store_idx %arg7[%add3A_86], %add3A_90 : memref<16384xi32, #tpu.memory_space<vmem>>[vector<16xi32>], vector<16xi32>,
      %scan3A_91 = arith.constant 0 : i32
      scf.yield %scan3A_91 : i32
    }
    %scan3A_18 = arith.constant 977 : i32
    %scan3A_19 = arith.constant 0 : i32
    %scan3A_20 = arith.constant 0 : i32
    %scan3A_21 = arith.constant 64 : i32
    %scan3A_22 = arith.addi %scan3A_20, %scan3A_21 : i32
    %scan3A_23 = arith.constant 1 : i32
    %scan3A_24 = scf.for %scan3A_59 = %scan3A_20 to %scan3A_22 step %scan3A_23 iter_args(%scan3A_60 = %scan3A_19) -> (i32)  : i32 {
      %mul3A_61 = arith.constant 16 : i32
      %mul3A_62 = arith.muli %scan3A_59, %mul3A_61 : i32
      %get3A = arith.index_cast %mul3A_62 : i32 to index
      %get3A_63 = tpu.vector_load %arg6[%get3A] {strides = array<i32>} : memref<16384xi32, #tpu.memory_space<vmem>>, vector<16xi32>,
      %mul3A_64 = arith.constant 16 : i32
      %mul3A_65 = arith.muli %scan3A_59, %mul3A_64 : i32
      %get3A_66 = arith.index_cast %mul3A_65 : i32 to index
      %get3A_67 = tpu.vector_load %arg7[%get3A_66] {strides = array<i32>} : memref<16384xi32, #tpu.memory_space<vmem>>, vector<16xi32>,
      %add3A_68 = arith.addi %get3A_63, %get3A_67 : vector<16xi32>
      %mul3A_69 = arith.constant 16 : i32
      %mul3A_70 = arith.muli %scan3A_59, %mul3A_69 : i32
      %add3A_71 = arith.constant 1024 : i32
      %add3A_72 = arith.addi %add3A_71, %mul3A_70 : i32
      %get3A_73 = arith.index_cast %add3A_72 : i32 to index
      %get3A_74 = tpu.vector_load %arg6[%get3A_73] {strides = array<i32>} : memref<16384xi32, #tpu.memory_space<vmem>>, vector<16xi32>,
      %add3A_75 = arith.addi %add3A_68, %get3A_74 : vector<16xi32>
      %mul3A_76 = arith.constant 16 : i32
      %mul3A_77 = arith.muli %scan3A_59, %mul3A_76 : i32
      %add3A_78 = arith.constant 1024 : i32
      %add3A_79 = arith.addi %add3A_78, %mul3A_77 : i32
      %get3A_80 = arith.index_cast %add3A_79 : i32 to index
      %get3A_81 = tpu.vector_load %arg7[%get3A_80] {strides = array<i32>} : memref<16384xi32, #tpu.memory_space<vmem>>, vector<16xi32>,
      %add3A_82 = arith.addi %add3A_75, %get3A_81 : vector<16xi32>
      %mul3A_83 = arith.constant 16 : i32
      %mul3A_84 = arith.muli %scan3A_59, %mul3A_83 : i32
      %add3A_85 = arith.constant 2048 : i32
      %add3A_86 = arith.addi %add3A_85, %mul3A_84 : i32
      %get3A_87 = arith.index_cast %add3A_86 : i32 to index
      %get3A_88 = tpu.vector_load %arg6[%get3A_87] {strides = array<i32>} : memref<16384xi32, #tpu.memory_space<vmem>>, vector<16xi32>,
      %add3A_89 = arith.addi %add3A_82, %get3A_88 : vector<16xi32>
      %mul3A_90 = arith.constant 16 : i32
      %mul3A_91 = arith.muli %scan3A_59, %mul3A_90 : i32
      %add3A_92 = arith.constant 2048 : i32
      %add3A_93 = arith.addi %add3A_92, %mul3A_91 : i32
      %get3A_94 = arith.index_cast %add3A_93 : i32 to index
      %get3A_95 = tpu.vector_load %arg7[%get3A_94] {strides = array<i32>} : memref<16384xi32, #tpu.memory_space<vmem>>, vector<16xi32>,
      %add3A_96 = arith.addi %add3A_89, %get3A_95 : vector<16xi32>
      %mul3A_97 = arith.constant 16 : i32
      %mul3A_98 = arith.muli %scan3A_59, %mul3A_97 : i32
      %add3A_99 = arith.constant 3072 : i32
      %add3A_100 = arith.addi %add3A_99, %mul3A_98 : i32
      %get3A_101 = arith.index_cast %add3A_100 : i32 to index
      %get3A_102 = tpu.vector_load %arg6[%get3A_101] {strides = array<i32>} : memref<16384xi32, #tpu.memory_space<vmem>>, vector<16xi32>,
      %add3A_103 = arith.addi %add3A_96, %get3A_102 : vector<16xi32>
      %mul3A_104 = arith.constant 16 : i32
      %mul3A_105 = arith.muli %scan3A_59, %mul3A_104 : i32
      %add3A_106 = arith.constant 3072 : i32
      %add3A_107 = arith.addi %add3A_106, %mul3A_105 : i32
      %get3A_108 = arith.index_cast %add3A_107 : i32 to index
      %get3A_109 = tpu.vector_load %arg7[%get3A_108] {strides = array<i32>} : memref<16384xi32, #tpu.memory_space<vmem>>, vector<16xi32>,
      %add3A_110 = arith.addi %add3A_103, %get3A_109 : vector<16xi32>
      %mul3A_111 = arith.constant 16 : i32
      %mul3A_112 = arith.muli %scan3A_59, %mul3A_111 : i32
      %add3A_113 = arith.constant 4096 : i32
      %add3A_114 = arith.addi %add3A_113, %mul3A_112 : i32
      %get3A_115 = arith.index_cast %add3A_114 : i32 to index
      %get3A_116 = tpu.vector_load %arg6[%get3A_115] {strides = array<i32>} : memref<16384xi32, #tpu.memory_space<vmem>>, vector<16xi32>,
      %add3A_117 = arith.addi %add3A_110, %get3A_116 : vector<16xi32>
      %mul3A_118 = arith.constant 16 : i32
      %mul3A_119 = arith.muli %scan3A_59, %mul3A_118 : i32
      %add3A_120 = arith.constant 4096 : i32
      %add3A_121 = arith.addi %add3A_120, %mul3A_119 : i32
      %get3A_122 = arith.index_cast %add3A_121 : i32 to index
      %get3A_123 = tpu.vector_load %arg7[%get3A_122] {strides = array<i32>} : memref<16384xi32, #tpu.memory_space<vmem>>, vector<16xi32>,
      %add3A_124 = arith.addi %add3A_117, %get3A_123 : vector<16xi32>
      %mul3A_125 = arith.constant 16 : i32
      %mul3A_126 = arith.muli %scan3A_59, %mul3A_125 : i32
      %add3A_127 = arith.constant 5120 : i32
      %add3A_128 = arith.addi %add3A_127, %mul3A_126 : i32
      %get3A_129 = arith.index_cast %add3A_128 : i32 to index
      %get3A_130 = tpu.vector_load %arg6[%get3A_129] {strides = array<i32>} : memref<16384xi32, #tpu.memory_space<vmem>>, vector<16xi32>,
      %add3A_131 = arith.addi %add3A_124, %get3A_130 : vector<16xi32>
      %mul3A_132 = arith.constant 16 : i32
      %mul3A_133 = arith.muli %scan3A_59, %mul3A_132 : i32
      %add3A_134 = arith.constant 5120 : i32
      %add3A_135 = arith.addi %add3A_134, %mul3A_133 : i32
      %get3A_136 = arith.index_cast %add3A_135 : i32 to index
      %get3A_137 = tpu.vector_load %arg7[%get3A_136] {strides = array<i32>} : memref<16384xi32, #tpu.memory_space<vmem>>, vector<16xi32>,
      %add3A_138 = arith.addi %add3A_131, %get3A_137 : vector<16xi32>
      %mul3A_139 = arith.constant 16 : i32
      %mul3A_140 = arith.muli %scan3A_59, %mul3A_139 : i32
      %add3A_141 = arith.constant 6144 : i32
      %add3A_142 = arith.addi %add3A_141, %mul3A_140 : i32
      %get3A_143 = arith.index_cast %add3A_142 : i32 to index
      %get3A_144 = tpu.vector_load %arg6[%get3A_143] {strides = array<i32>} : memref<16384xi32, #tpu.memory_space<vmem>>, vector<16xi32>,
      %add3A_145 = arith.addi %add3A_138, %get3A_144 : vector<16xi32>
      %mul3A_146 = arith.constant 16 : i32
      %mul3A_147 = arith.muli %scan3A_59, %mul3A_146 : i32
      %add3A_148 = arith.constant 6144 : i32
      %add3A_149 = arith.addi %add3A_148, %mul3A_147 : i32
      %get3A_150 = arith.index_cast %add3A_149 : i32 to index
      %get3A_151 = tpu.vector_load %arg7[%get3A_150] {strides = array<i32>} : memref<16384xi32, #tpu.memory_space<vmem>>, vector<16xi32>,
      %add3A_152 = arith.addi %add3A_145, %get3A_151 : vector<16xi32>
      %mul3A_153 = arith.constant 16 : i32
      %mul3A_154 = arith.muli %scan3A_59, %mul3A_153 : i32
      %add3A_155 = arith.constant 7168 : i32
      %add3A_156 = arith.addi %add3A_155, %mul3A_154 : i32
      %get3A_157 = arith.index_cast %add3A_156 : i32 to index
      %get3A_158 = tpu.vector_load %arg6[%get3A_157] {strides = array<i32>} : memref<16384xi32, #tpu.memory_space<vmem>>, vector<16xi32>,
      %add3A_159 = arith.addi %add3A_152, %get3A_158 : vector<16xi32>
      %mul3A_160 = arith.constant 16 : i32
      %mul3A_161 = arith.muli %scan3A_59, %mul3A_160 : i32
      %add3A_162 = arith.constant 7168 : i32
      %add3A_163 = arith.addi %add3A_162, %mul3A_161 : i32
      %get3A_164 = arith.index_cast %add3A_163 : i32 to index
      %get3A_165 = tpu.vector_load %arg7[%get3A_164] {strides = array<i32>} : memref<16384xi32, #tpu.memory_space<vmem>>, vector<16xi32>,
      %add3A_166 = arith.addi %add3A_159, %get3A_165 : vector<16xi32>
      %mul3A_167 = arith.constant 16 : i32
      %mul3A_168 = arith.muli %scan3A_59, %mul3A_167 : i32
      %add3A_169 = arith.constant 8192 : i32
      %add3A_170 = arith.addi %add3A_169, %mul3A_168 : i32
      %get3A_171 = arith.index_cast %add3A_170 : i32 to index
      %get3A_172 = tpu.vector_load %arg6[%get3A_171] {strides = array<i32>} : memref<16384xi32, #tpu.memory_space<vmem>>, vector<16xi32>,
      %add3A_173 = arith.addi %add3A_166, %get3A_172 : vector<16xi32>
      %mul3A_174 = arith.constant 16 : i32
      %mul3A_175 = arith.muli %scan3A_59, %mul3A_174 : i32
      %add3A_176 = arith.constant 8192 : i32
      %add3A_177 = arith.addi %add3A_176, %mul3A_175 : i32
      %get3A_178 = arith.index_cast %add3A_177 : i32 to index
      %get3A_179 = tpu.vector_load %arg7[%get3A_178] {strides = array<i32>} : memref<16384xi32, #tpu.memory_space<vmem>>, vector<16xi32>,
      %add3A_180 = arith.addi %add3A_173, %get3A_179 : vector<16xi32>
      %mul3A_181 = arith.constant 16 : i32
      %mul3A_182 = arith.muli %scan3A_59, %mul3A_181 : i32
      %add3A_183 = arith.constant 9216 : i32
      %add3A_184 = arith.addi %add3A_183, %mul3A_182 : i32
      %get3A_185 = arith.index_cast %add3A_184 : i32 to index
      %get3A_186 = tpu.vector_load %arg6[%get3A_185] {strides = array<i32>} : memref<16384xi32, #tpu.memory_space<vmem>>, vector<16xi32>,
      %add3A_187 = arith.addi %add3A_180, %get3A_186 : vector<16xi32>
      %mul3A_188 = arith.constant 16 : i32
      %mul3A_189 = arith.muli %scan3A_59, %mul3A_188 : i32
      %add3A_190 = arith.constant 9216 : i32
      %add3A_191 = arith.addi %add3A_190, %mul3A_189 : i32
      %get3A_192 = arith.index_cast %add3A_191 : i32 to index
      %get3A_193 = tpu.vector_load %arg7[%get3A_192] {strides = array<i32>} : memref<16384xi32, #tpu.memory_space<vmem>>, vector<16xi32>,
      %add3A_194 = arith.addi %add3A_187, %get3A_193 : vector<16xi32>
      %mul3A_195 = arith.constant 16 : i32
      %mul3A_196 = arith.muli %scan3A_59, %mul3A_195 : i32
      %add3A_197 = arith.constant 10240 : i32
      %add3A_198 = arith.addi %add3A_197, %mul3A_196 : i32
      %get3A_199 = arith.index_cast %add3A_198 : i32 to index
      %get3A_200 = tpu.vector_load %arg6[%get3A_199] {strides = array<i32>} : memref<16384xi32, #tpu.memory_space<vmem>>, vector<16xi32>,
      %add3A_201 = arith.addi %add3A_194, %get3A_200 : vector<16xi32>
      %mul3A_202 = arith.constant 16 : i32
      %mul3A_203 = arith.muli %scan3A_59, %mul3A_202 : i32
      %add3A_204 = arith.constant 10240 : i32
      %add3A_205 = arith.addi %add3A_204, %mul3A_203 : i32
      %get3A_206 = arith.index_cast %add3A_205 : i32 to index
      %get3A_207 = tpu.vector_load %arg7[%get3A_206] {strides = array<i32>} : memref<16384xi32, #tpu.memory_space<vmem>>, vector<16xi32>,
      %add3A_208 = arith.addi %add3A_201, %get3A_207 : vector<16xi32>
      %mul3A_209 = arith.constant 16 : i32
      %mul3A_210 = arith.muli %scan3A_59, %mul3A_209 : i32
      %add3A_211 = arith.constant 11264 : i32
      %add3A_212 = arith.addi %add3A_211, %mul3A_210 : i32
      %get3A_213 = arith.index_cast %add3A_212 : i32 to index
      %get3A_214 = tpu.vector_load %arg6[%get3A_213] {strides = array<i32>} : memref<16384xi32, #tpu.memory_space<vmem>>, vector<16xi32>,
      %add3A_215 = arith.addi %add3A_208, %get3A_214 : vector<16xi32>
      %mul3A_216 = arith.constant 16 : i32
      %mul3A_217 = arith.muli %scan3A_59, %mul3A_216 : i32
      %add3A_218 = arith.constant 11264 : i32
      %add3A_219 = arith.addi %add3A_218, %mul3A_217 : i32
      %get3A_220 = arith.index_cast %add3A_219 : i32 to index
      %get3A_221 = tpu.vector_load %arg7[%get3A_220] {strides = array<i32>} : memref<16384xi32, #tpu.memory_space<vmem>>, vector<16xi32>,
      %add3A_222 = arith.addi %add3A_215, %get3A_221 : vector<16xi32>
      %mul3A_223 = arith.constant 16 : i32
      %mul3A_224 = arith.muli %scan3A_59, %mul3A_223 : i32
      %add3A_225 = arith.constant 12288 : i32
      %add3A_226 = arith.addi %add3A_225, %mul3A_224 : i32
      %get3A_227 = arith.index_cast %add3A_226 : i32 to index
      %get3A_228 = tpu.vector_load %arg6[%get3A_227] {strides = array<i32>} : memref<16384xi32, #tpu.memory_space<vmem>>, vector<16xi32>,
      %add3A_229 = arith.addi %add3A_222, %get3A_228 : vector<16xi32>
      %mul3A_230 = arith.constant 16 : i32
      %mul3A_231 = arith.muli %scan3A_59, %mul3A_230 : i32
      %add3A_232 = arith.constant 12288 : i32
      %add3A_233 = arith.addi %add3A_232, %mul3A_231 : i32
      %get3A_234 = arith.index_cast %add3A_233 : i32 to index
      %get3A_235 = tpu.vector_load %arg7[%get3A_234] {strides = array<i32>} : memref<16384xi32, #tpu.memory_space<vmem>>, vector<16xi32>,
      %add3A_236 = arith.addi %add3A_229, %get3A_235 : vector<16xi32>
      %mul3A_237 = arith.constant 16 : i32
      %mul3A_238 = arith.muli %scan3A_59, %mul3A_237 : i32
      %add3A_239 = arith.constant 13312 : i32
      %add3A_240 = arith.addi %add3A_239, %mul3A_238 : i32
      %get3A_241 = arith.index_cast %add3A_240 : i32 to index
      %get3A_242 = tpu.vector_load %arg6[%get3A_241] {strides = array<i32>} : memref<16384xi32, #tpu.memory_space<vmem>>, vector<16xi32>,
      %add3A_243 = arith.addi %add3A_236, %get3A_242 : vector<16xi32>
      %mul3A_244 = arith.constant 16 : i32
      %mul3A_245 = arith.muli %scan3A_59, %mul3A_244 : i32
      %add3A_246 = arith.constant 13312 : i32
      %add3A_247 = arith.addi %add3A_246, %mul3A_245 : i32
      %get3A_248 = arith.index_cast %add3A_247 : i32 to index
      %get3A_249 = tpu.vector_load %arg7[%get3A_248] {strides = array<i32>} : memref<16384xi32, #tpu.memory_space<vmem>>, vector<16xi32>,
      %add3A_250 = arith.addi %add3A_243, %get3A_249 : vector<16xi32>
      %mul3A_251 = arith.constant 16 : i32
      %mul3A_252 = arith.muli %scan3A_59, %mul3A_251 : i32
      %add3A_253 = arith.constant 14336 : i32
      %add3A_254 = arith.addi %add3A_253, %mul3A_252 : i32
      %get3A_255 = arith.index_cast %add3A_254 : i32 to index
      %get3A_256 = tpu.vector_load %arg6[%get3A_255] {strides = array<i32>} : memref<16384xi32, #tpu.memory_space<vmem>>, vector<16xi32>,
      %add3A_257 = arith.addi %add3A_250, %get3A_256 : vector<16xi32>
      %mul3A_258 = arith.constant 16 : i32
      %mul3A_259 = arith.muli %scan3A_59, %mul3A_258 : i32
      %add3A_260 = arith.constant 14336 : i32
      %add3A_261 = arith.addi %add3A_260, %mul3A_259 : i32
      %get3A_262 = arith.index_cast %add3A_261 : i32 to index
      %get3A_263 = tpu.vector_load %arg7[%get3A_262] {strides = array<i32>} : memref<16384xi32, #tpu.memory_space<vmem>>, vector<16xi32>,
      %add3A_264 = arith.addi %add3A_257, %get3A_263 : vector<16xi32>
      %mul3A_265 = arith.constant 16 : i32
      %mul3A_266 = arith.muli %scan3A_59, %mul3A_265 : i32
      %add3A_267 = arith.constant 15360 : i32
      %add3A_268 = arith.addi %add3A_267, %mul3A_266 : i32
      %get3A_269 = arith.index_cast %add3A_268 : i32 to index
      %get3A_270 = tpu.vector_load %arg6[%get3A_269] {strides = array<i32>} : memref<16384xi32, #tpu.memory_space<vmem>>, vector<16xi32>,
      %add3A_271 = arith.addi %add3A_264, %get3A_270 : vector<16xi32>
      %mul3A_272 = arith.constant 16 : i32
      %mul3A_273 = arith.muli %scan3A_59, %mul3A_272 : i32
      %add3A_274 = arith.constant 15360 : i32
      %add3A_275 = arith.addi %add3A_274, %mul3A_273 : i32
      %get3A_276 = arith.index_cast %add3A_275 : i32 to index
      %get3A_277 = tpu.vector_load %arg7[%get3A_276] {strides = array<i32>} : memref<16384xi32, #tpu.memory_space<vmem>>, vector<16xi32>,
      %add3A_278 = arith.addi %add3A_271, %get3A_277 : vector<16xi32>
      %mul3A_279 = arith.constant 16 : i32
      %mul3A_280 = arith.muli %scan3A_59, %mul3A_279 : i32
      %swap3A = arith.index_cast %mul3A_280 : i32 to index
      %swap3A_281 = tpu.vector_load %arg8[%swap3A] {strides = array<i32>} : memref<1024xi32, #tpu.memory_space<vmem>>, vector<16xi32>,
      tpu.vector_store %arg8[%swap3A], %add3A_278 {strides = array<i32>} : memref<1024xi32, #tpu.memory_space<vmem>>, vector<16xi32>,
      %scan3A_282 = arith.constant 0 : i32
      scf.yield %scan3A_282 : i32
    }
    %scan3A_25 = arith.constant 64 : i32
    %mul3A_26 = arith.constant 1024 : i32
    %mul3A_27 = arith.muli %arg1, %mul3A_26 : i32
    "tpu.region"() ({
      %run_scoped3A = tpu.sem_alloc : memref<!tpu.dma_semaphore, #tpu.memory_space<semaphore_mem>>
      %dma_start3A = tpu.memref_slice %arg12[%mul3A_27] : memref<16384xi32, #tpu.memory_space<vmem_shared>> -> memref<1024xi32, #tpu.memory_space<vmem_shared>>
      %dma_start3A_59 = tpu.memref_slice %arg12[%mul3A_27] : memref<16384xi32, #tpu.memory_space<vmem_shared>> -> memref<1024xi32, #tpu.memory_space<vmem_shared>>
      tpu.enqueue_dma source(%arg8 : memref<1024xi32, #tpu.memory_space<vmem>>) target(%dma_start3A_59 : memref<1024xi32, #tpu.memory_space<vmem_shared>>) target_semaphore(%run_scoped3A : memref<!tpu.dma_semaphore, #tpu.memory_space<semaphore_mem>>)
      %dma_wait3A = tpu.memref_slice %arg12[%mul3A_27] : memref<16384xi32, #tpu.memory_space<vmem_shared>> -> memref<1024xi32, #tpu.memory_space<vmem_shared>>
      %dma_wait3A_60 = tpu.memref_slice %arg12[%mul3A_27] : memref<16384xi32, #tpu.memory_space<vmem_shared>> -> memref<1024xi32, #tpu.memory_space<vmem_shared>>
      tpu.wait_dma2 semaphore(%run_scoped3A : memref<!tpu.dma_semaphore, #tpu.memory_space<semaphore_mem>>) src(%arg8 : memref<1024xi32, #tpu.memory_space<vmem>>) dst(%dma_wait3A_60 : memref<1024xi32, #tpu.memory_space<vmem_shared>>)
      tpu.yield
    }) : () -> ()
    %barrier3A = arith.constant 0 : index
    tpu.barrier barrier_id(%barrier3A)
    "tpu.region"() ({
      %run_scoped3A = tpu.sem_alloc : memref<!tpu.dma_semaphore, #tpu.memory_space<semaphore_mem>>
      tpu.enqueue_dma source(%arg12 : memref<16384xi32, #tpu.memory_space<vmem_shared>>) target(%arg9 : memref<16384xi32, #tpu.memory_space<vmem>>) target_semaphore(%run_scoped3A : memref<!tpu.dma_semaphore, #tpu.memory_space<semaphore_mem>>)
      tpu.wait_dma2 semaphore(%run_scoped3A : memref<!tpu.dma_semaphore, #tpu.memory_space<semaphore_mem>>) src(%arg12 : memref<16384xi32, #tpu.memory_space<vmem_shared>>) dst(%arg9 : memref<16384xi32, #tpu.memory_space<vmem>>)
      tpu.yield
    }) : () -> ()
    %scan3A_28 = arith.constant 0 : i32
    %scan3A_29 = arith.constant 0 : i32
    %scan3A_30 = arith.constant 64 : i32
    %scan3A_31 = arith.addi %scan3A_29, %scan3A_30 : i32
    %scan3A_32 = arith.constant 1 : i32
    %scan3A_33 = scf.for %scan3A_59 = %scan3A_29 to %scan3A_31 step %scan3A_32 iter_args(%scan3A_60 = %scan3A_28) -> (i32)  : i32 {
      %mul3A_61 = arith.constant 16 : i32
      %mul3A_62 = arith.muli %scan3A_59, %mul3A_61 : i32
      %get3A = arith.index_cast %mul3A_62 : i32 to index
      %get3A_63 = tpu.vector_load %arg9[%get3A] {strides = array<i32>} : memref<16384xi32, #tpu.memory_space<vmem>>, vector<16xi32>,
      %mul3A_64 = arith.constant 16 : i32
      %mul3A_65 = arith.muli %scan3A_59, %mul3A_64 : i32
      %add3A_66 = arith.constant 1024 : i32
      %add3A_67 = arith.addi %add3A_66, %mul3A_65 : i32
      %get3A_68 = arith.index_cast %add3A_67 : i32 to index
      %get3A_69 = tpu.vector_load %arg9[%get3A_68] {strides = array<i32>} : memref<16384xi32, #tpu.memory_space<vmem>>, vector<16xi32>,
      %add3A_70 = arith.addi %get3A_63, %get3A_69 : vector<16xi32>
      %mul3A_71 = arith.constant 16 : i32
      %mul3A_72 = arith.muli %scan3A_59, %mul3A_71 : i32
      %add3A_73 = arith.constant 2048 : i32
      %add3A_74 = arith.addi %add3A_73, %mul3A_72 : i32
      %get3A_75 = arith.index_cast %add3A_74 : i32 to index
      %get3A_76 = tpu.vector_load %arg9[%get3A_75] {strides = array<i32>} : memref<16384xi32, #tpu.memory_space<vmem>>, vector<16xi32>,
      %add3A_77 = arith.addi %add3A_70, %get3A_76 : vector<16xi32>
      %mul3A_78 = arith.constant 16 : i32
      %mul3A_79 = arith.muli %scan3A_59, %mul3A_78 : i32
      %add3A_80 = arith.constant 3072 : i32
      %add3A_81 = arith.addi %add3A_80, %mul3A_79 : i32
      %get3A_82 = arith.index_cast %add3A_81 : i32 to index
      %get3A_83 = tpu.vector_load %arg9[%get3A_82] {strides = array<i32>} : memref<16384xi32, #tpu.memory_space<vmem>>, vector<16xi32>,
      %add3A_84 = arith.addi %add3A_77, %get3A_83 : vector<16xi32>
      %mul3A_85 = arith.constant 16 : i32
      %mul3A_86 = arith.muli %scan3A_59, %mul3A_85 : i32
      %add3A_87 = arith.constant 4096 : i32
      %add3A_88 = arith.addi %add3A_87, %mul3A_86 : i32
      %get3A_89 = arith.index_cast %add3A_88 : i32 to index
      %get3A_90 = tpu.vector_load %arg9[%get3A_89] {strides = array<i32>} : memref<16384xi32, #tpu.memory_space<vmem>>, vector<16xi32>,
      %add3A_91 = arith.addi %add3A_84, %get3A_90 : vector<16xi32>
      %mul3A_92 = arith.constant 16 : i32
      %mul3A_93 = arith.muli %scan3A_59, %mul3A_92 : i32
      %add3A_94 = arith.constant 5120 : i32
      %add3A_95 = arith.addi %add3A_94, %mul3A_93 : i32
      %get3A_96 = arith.index_cast %add3A_95 : i32 to index
      %get3A_97 = tpu.vector_load %arg9[%get3A_96] {strides = array<i32>} : memref<16384xi32, #tpu.memory_space<vmem>>, vector<16xi32>,
      %add3A_98 = arith.addi %add3A_91, %get3A_97 : vector<16xi32>
      %mul3A_99 = arith.constant 16 : i32
      %mul3A_100 = arith.muli %scan3A_59, %mul3A_99 : i32
      %add3A_101 = arith.constant 6144 : i32
      %add3A_102 = arith.addi %add3A_101, %mul3A_100 : i32
      %get3A_103 = arith.index_cast %add3A_102 : i32 to index
      %get3A_104 = tpu.vector_load %arg9[%get3A_103] {strides = array<i32>} : memref<16384xi32, #tpu.memory_space<vmem>>, vector<16xi32>,
      %add3A_105 = arith.addi %add3A_98, %get3A_104 : vector<16xi32>
      %mul3A_106 = arith.constant 16 : i32
      %mul3A_107 = arith.muli %scan3A_59, %mul3A_106 : i32
      %add3A_108 = arith.constant 7168 : i32
      %add3A_109 = arith.addi %add3A_108, %mul3A_107 : i32
      %get3A_110 = arith.index_cast %add3A_109 : i32 to index
      %get3A_111 = tpu.vector_load %arg9[%get3A_110] {strides = array<i32>} : memref<16384xi32, #tpu.memory_space<vmem>>, vector<16xi32>,
      %add3A_112 = arith.addi %add3A_105, %get3A_111 : vector<16xi32>
      %mul3A_113 = arith.constant 16 : i32
      %mul3A_114 = arith.muli %scan3A_59, %mul3A_113 : i32
      %add3A_115 = arith.constant 8192 : i32
      %add3A_116 = arith.addi %add3A_115, %mul3A_114 : i32
      %get3A_117 = arith.index_cast %add3A_116 : i32 to index
      %get3A_118 = tpu.vector_load %arg9[%get3A_117] {strides = array<i32>} : memref<16384xi32, #tpu.memory_space<vmem>>, vector<16xi32>,
      %add3A_119 = arith.addi %add3A_112, %get3A_118 : vector<16xi32>
      %mul3A_120 = arith.constant 16 : i32
      %mul3A_121 = arith.muli %scan3A_59, %mul3A_120 : i32
      %add3A_122 = arith.constant 9216 : i32
      %add3A_123 = arith.addi %add3A_122, %mul3A_121 : i32
      %get3A_124 = arith.index_cast %add3A_123 : i32 to index
      %get3A_125 = tpu.vector_load %arg9[%get3A_124] {strides = array<i32>} : memref<16384xi32, #tpu.memory_space<vmem>>, vector<16xi32>,
      %add3A_126 = arith.addi %add3A_119, %get3A_125 : vector<16xi32>
      %mul3A_127 = arith.constant 16 : i32
      %mul3A_128 = arith.muli %scan3A_59, %mul3A_127 : i32
      %add3A_129 = arith.constant 10240 : i32
      %add3A_130 = arith.addi %add3A_129, %mul3A_128 : i32
      %get3A_131 = arith.index_cast %add3A_130 : i32 to index
      %get3A_132 = tpu.vector_load %arg9[%get3A_131] {strides = array<i32>} : memref<16384xi32, #tpu.memory_space<vmem>>, vector<16xi32>,
      %add3A_133 = arith.addi %add3A_126, %get3A_132 : vector<16xi32>
      %mul3A_134 = arith.constant 16 : i32
      %mul3A_135 = arith.muli %scan3A_59, %mul3A_134 : i32
      %add3A_136 = arith.constant 11264 : i32
      %add3A_137 = arith.addi %add3A_136, %mul3A_135 : i32
      %get3A_138 = arith.index_cast %add3A_137 : i32 to index
      %get3A_139 = tpu.vector_load %arg9[%get3A_138] {strides = array<i32>} : memref<16384xi32, #tpu.memory_space<vmem>>, vector<16xi32>,
      %add3A_140 = arith.addi %add3A_133, %get3A_139 : vector<16xi32>
      %mul3A_141 = arith.constant 16 : i32
      %mul3A_142 = arith.muli %scan3A_59, %mul3A_141 : i32
      %add3A_143 = arith.constant 12288 : i32
      %add3A_144 = arith.addi %add3A_143, %mul3A_142 : i32
      %get3A_145 = arith.index_cast %add3A_144 : i32 to index
      %get3A_146 = tpu.vector_load %arg9[%get3A_145] {strides = array<i32>} : memref<16384xi32, #tpu.memory_space<vmem>>, vector<16xi32>,
      %add3A_147 = arith.addi %add3A_140, %get3A_146 : vector<16xi32>
      %mul3A_148 = arith.constant 16 : i32
      %mul3A_149 = arith.muli %scan3A_59, %mul3A_148 : i32
      %add3A_150 = arith.constant 13312 : i32
      %add3A_151 = arith.addi %add3A_150, %mul3A_149 : i32
      %get3A_152 = arith.index_cast %add3A_151 : i32 to index
      %get3A_153 = tpu.vector_load %arg9[%get3A_152] {strides = array<i32>} : memref<16384xi32, #tpu.memory_space<vmem>>, vector<16xi32>,
      %add3A_154 = arith.addi %add3A_147, %get3A_153 : vector<16xi32>
      %mul3A_155 = arith.constant 16 : i32
      %mul3A_156 = arith.muli %scan3A_59, %mul3A_155 : i32
      %add3A_157 = arith.constant 14336 : i32
      %add3A_158 = arith.addi %add3A_157, %mul3A_156 : i32
      %get3A_159 = arith.index_cast %add3A_158 : i32 to index
      %get3A_160 = tpu.vector_load %arg9[%get3A_159] {strides = array<i32>} : memref<16384xi32, #tpu.memory_space<vmem>>, vector<16xi32>,
      %add3A_161 = arith.addi %add3A_154, %get3A_160 : vector<16xi32>
      %mul3A_162 = arith.constant 16 : i32
      %mul3A_163 = arith.muli %scan3A_59, %mul3A_162 : i32
      %add3A_164 = arith.constant 15360 : i32
      %add3A_165 = arith.addi %add3A_164, %mul3A_163 : i32
      %get3A_166 = arith.index_cast %add3A_165 : i32 to index
      %get3A_167 = tpu.vector_load %arg9[%get3A_166] {strides = array<i32>} : memref<16384xi32, #tpu.memory_space<vmem>>, vector<16xi32>,
      %add3A_168 = arith.addi %add3A_161, %get3A_167 : vector<16xi32>
      %mul3A_169 = arith.constant 16 : i32
      %mul3A_170 = arith.muli %scan3A_59, %mul3A_169 : i32
      %swap3A = arith.index_cast %mul3A_170 : i32 to index
      %swap3A_171 = tpu.vector_load %arg8[%swap3A] {strides = array<i32>} : memref<1024xi32, #tpu.memory_space<vmem>>, vector<16xi32>,
      tpu.vector_store %arg8[%swap3A], %add3A_168 {strides = array<i32>} : memref<1024xi32, #tpu.memory_space<vmem>>, vector<16xi32>,
      %scan3A_172 = arith.constant 0 : i32
      scf.yield %scan3A_172 : i32
    }
    %scan3A_34 = arith.constant 64 : i32
    %scan3A_35 = arith.constant 0 : i32
    %scan3A_36 = arith.constant -1 : i32
    %scan3A_37 = arith.constant 0 : i32
    %scan3A_38 = arith.constant 64 : i32
    %scan3A_39 = arith.addi %scan3A_37, %scan3A_38 : i32
    %scan3A_40 = arith.constant 1 : i32
    %scan3A_41:2 = scf.for %scan3A_59 = %scan3A_37 to %scan3A_39 step %scan3A_40 iter_args(%scan3A_60 = %scan3A_35, %scan3A_61 = %scan3A_36) -> (i32, i32)  : i32 {
      %sub3A = arith.constant 63 : i32
      %sub3A_62 = arith.subi %sub3A, %scan3A_59 : i32
      %mul3A_63 = arith.constant 16 : i32
      %mul3A_64 = arith.muli %sub3A_62, %mul3A_63 : i32
      %get3A = arith.index_cast %mul3A_64 : i32 to index
      %get3A_65 = tpu.vector_load %arg8[%get3A] {strides = array<i32>} : memref<1024xi32, #tpu.memory_space<vmem>>, vector<16xi32>,
      %rev3A = arith.constant 15 : i32
      %rev3A_66 = vector.broadcast %rev3A : i32 to vector<16xi32>
      %rev3A_67 = tpu.iota {dimensions = array<i32: 0>} : vector<16xi32>
      %rev3A_68 = arith.subi %rev3A_66, %rev3A_67 : vector<16xi32>
      %rev3A_69 = tpu.dynamic_gather %get3A_65[%rev3A_68] in [0] : vector<16xi32>, vector<16xi32> -> vector<16xi32>
      %cumsum3A = arith.constant true
      %cumsum3A_70 = vector.broadcast %cumsum3A : i1 to vector<16xi1>
      %cumsum3A_71 = tpu.scan <sum>, %rev3A_69 masked %cumsum3A_70 : vector<16xi32>, vector<16xi1> -> vector<16xi32>
      %rev3A_72 = arith.constant 15 : i32
      %rev3A_73 = vector.broadcast %rev3A_72 : i32 to vector<16xi32>
      %rev3A_74 = tpu.iota {dimensions = array<i32: 0>} : vector<16xi32>
      %rev3A_75 = arith.subi %rev3A_73, %rev3A_74 : vector<16xi32>
      %rev3A_76 = tpu.dynamic_gather %cumsum3A_71[%rev3A_75] in [0] : vector<16xi32>, vector<16xi32> -> vector<16xi32>
      %add3A_77 = vector.broadcast %scan3A_60 : i32 to vector<16xi32>
      %add3A_78 = arith.addi %rev3A_76, %add3A_77 : vector<16xi32>
      %iota3A_79 = tpu.iota {dimensions = array<i32: 0>} : vector<16xi32>
      %mul3A_80 = arith.constant 16 : i32
      %mul3A_81 = arith.muli %sub3A_62, %mul3A_80 : i32
      %add3A_82 = vector.broadcast %mul3A_81 : i32 to vector<16xi32>
      %add3A_83 = arith.addi %iota3A_79, %add3A_82 : vector<16xi32>
      %ge3A = arith.constant 5000 : i32
      %ge3A_84 = vector.broadcast %ge3A : i32 to vector<16xi32>
      %ge3A_85 = arith.cmpi sge, %add3A_78, %ge3A_84 : vector<16xi32>
      %jit3A = arith.constant -1 : i32
      %broadcast_in_dim3A = vector.broadcast %jit3A : i32 to vector<16xi32>
      %select_n3A = arith.select %ge3A_85, %add3A_83, %broadcast_in_dim3A : vector<16xi1>, vector<16xi32>
      %reduce_max3A = arith.constant true
      %reduce_max3A_86 = vector.broadcast %reduce_max3A : i1 to vector<16xi1>
      %reduce_max3A_87 = arith.constant -2147483648 : i32
      %reduce_max3A_88 = vector.broadcast %reduce_max3A_87 : i32 to vector<16xi32>
      %reduce_max3A_89 = arith.xori %select_n3A, %reduce_max3A_88 : vector<16xi32>
      %reduce_max3A_90 = tpu.scan <max>, %reduce_max3A_89 masked %reduce_max3A_86 : vector<16xi32>, vector<16xi1> -> vector<16xi32>
      %reduce_max3A_91 = arith.xori %reduce_max3A_90, %reduce_max3A_88 : vector<16xi32>
      %reduce_max3A_92 = vector.extract %reduce_max3A_91[15] : i32 from vector<16xi32>
      %reduce_sum3A = arith.constant true
      %reduce_sum3A_93 = vector.broadcast %reduce_sum3A : i1 to vector<16xi1>
      %reduce_sum3A_94 = tpu.scan <sum>, %get3A_65 masked %reduce_sum3A_93 : vector<16xi32>, vector<16xi1> -> vector<16xi32>
      %reduce_sum3A_95 = vector.extract %reduce_sum3A_94[15] : i32 from vector<16xi32>
      %add3A_96 = arith.addi %scan3A_60, %reduce_sum3A_95 : i32
      %max3A_97 = arith.maxsi %scan3A_61, %reduce_max3A_92 : i32
      scf.yield %add3A_96, %max3A_97 : i32, i32
    }
    %scan3A_42 = arith.constant 64 : i32
    %max3A = arith.constant 0 : i32
    %max3A_43 = arith.maxsi %scan3A_41#1, %max3A : i32
    %scan3A_44 = arith.constant 0 : i32
    %scan3A_45 = arith.constant 0 : i32
    %scan3A_46 = arith.constant 65 : i32
    %scan3A_47 = arith.addi %scan3A_45, %scan3A_46 : i32
    %scan3A_48 = arith.constant 1 : i32
    %scan3A_49 = scf.for %scan3A_59 = %scan3A_45 to %scan3A_47 step %scan3A_48 iter_args(%scan3A_60 = %scan3A_44) -> (i32)  : i32 {
      %broadcast_in_dim3A = arith.constant 0.000000e+00 : f32
      %broadcast_in_dim3A_61 = vector.broadcast %broadcast_in_dim3A : f32 to vector<16xf32>
      %mul3A_62 = arith.constant 16 : i32
      %mul3A_63 = arith.muli %scan3A_59, %mul3A_62 : i32
      %swap3A = arith.index_cast %mul3A_63 : i32 to index
      %swap3A_64 = tpu.vector_load %arg10[%swap3A] {strides = array<i32>} : memref<1040xf32, #tpu.memory_space<vmem>>, vector<16xf32>,
      tpu.vector_store %arg10[%swap3A], %broadcast_in_dim3A_61 {strides = array<i32>} : memref<1040xf32, #tpu.memory_space<vmem>>, vector<16xf32>,
      %broadcast_in_dim3A_65 = arith.constant 0 : i32
      %broadcast_in_dim3A_66 = vector.broadcast %broadcast_in_dim3A_65 : i32 to vector<16xi32>
      %mul3A_67 = arith.constant 16 : i32
      %mul3A_68 = arith.muli %scan3A_59, %mul3A_67 : i32
      %swap3A_69 = arith.index_cast %mul3A_68 : i32 to index
      %swap3A_70 = tpu.vector_load %arg11[%swap3A_69] {strides = array<i32>} : memref<1040xi32, #tpu.memory_space<vmem>>, vector<16xi32>,
      tpu.vector_store %arg11[%swap3A_69], %broadcast_in_dim3A_66 {strides = array<i32>} : memref<1040xi32, #tpu.memory_space<vmem>>, vector<16xi32>,
      %scan3A_71 = arith.constant 0 : i32
      scf.yield %scan3A_71 : i32
    }
    %scan3A_50 = arith.constant 65 : i32
    %iota3A_51 = tpu.iota {dimensions = array<i32: 0>} : vector<16xi32>
    %scan3A_52 = arith.constant 0 : i32
    %scan3A_53 = arith.constant 0 : i32
    %scan3A_54 = arith.constant 1954 : i32
    %scan3A_55 = arith.addi %scan3A_53, %scan3A_54 : i32
    %scan3A_56 = arith.constant 1 : i32
    %scan3A_57 = scf.for %scan3A_59 = %scan3A_53 to %scan3A_55 step %scan3A_56 iter_args(%scan3A_60 = %scan3A_52) -> (i32)  : i32 {
      %mul3A_61 = arith.constant 16 : i32
      %mul3A_62 = arith.muli %scan3A_59, %mul3A_61 : i32
      %get3A = arith.index_cast %mul3A_62 : i32 to index
      %get3A_63 = tpu.vector_load %arg5[%get3A] {strides = array<i32>} : memref<31264xf32, #tpu.memory_space<vmem>>, vector<16xf32>,
      %mul3A_64 = arith.constant 1.024000e+03 : f32
      %mul3A_65 = vector.broadcast %mul3A_64 : f32 to vector<16xf32>
      %mul3A_66 = arith.mulf %get3A_63, %mul3A_65 : vector<16xf32>
      %convert_element_type3A = arith.fptosi %mul3A_66 : vector<16xf32> to vector<16xi32>
      %min3A = arith.constant 1023 : i32
      %min3A_67 = vector.broadcast %min3A : i32 to vector<16xi32>
      %min3A_68 = arith.minsi %convert_element_type3A, %min3A_67 : vector<16xi32>
      %mul3A_69 = arith.constant 16 : i32
      %mul3A_70 = arith.muli %scan3A_59, %mul3A_69 : i32
      %add3A_71 = arith.addi %mul3A_2, %mul3A_70 : i32
      %add3A_72 = vector.broadcast %add3A_71 : i32 to vector<16xi32>
      %add3A_73 = arith.addi %add3A_72, %iota3A_51 : vector<16xi32>
      %ge3A = vector.broadcast %max3A_43 : i32 to vector<16xi32>
      %ge3A_74 = arith.cmpi sge, %min3A_68, %ge3A : vector<16xi32>
      %lt3A = arith.constant 1000000 : i32
      %lt3A_75 = vector.broadcast %lt3A : i32 to vector<16xi32>
      %lt3A_76 = arith.cmpi slt, %add3A_73, %lt3A_75 : vector<16xi32>
      %and3A = arith.andi %ge3A_74, %lt3A_76 : vector<16xi1>
      %lt3A_77 = arith.constant 1009 : i32
      %lt3A_78 = arith.cmpi slt, %scan3A_60, %lt3A_77 : i32
      %and3A_79 = vector.broadcast %lt3A_78 : i1 to vector<16xi1>
      %and3A_80 = arith.andi %and3A, %and3A_79 : vector<16xi1>
      %all_reduce_population_count3A = tpu.all_reduce %and3A_80 {dim = 0 : i64, kind = #tpu.reduction_kind<sum>} : vector<16xi1> -> vector<16xi32>
      %slice3A = vector.extract_strided_slice %all_reduce_population_count3A {offsets = [0], sizes = [1], strides = [1]} : vector<16xi32> to vector<1xi32>
      %reshape3A = vector.extract %slice3A[0] : i32 from vector<1xi32>
      %swap3A = arith.index_cast %scan3A_60 : i32 to index
      %swap3A_81 = tpu.vector_load %arg10[%swap3A] masked %and3A_80 {strides = array<i32>} : memref<1040xf32, #tpu.memory_space<vmem>>, vector<16xf32>, vector<16xi1>
      tpu.vector_store %arg10[%swap3A], %get3A_63 masked %and3A_80 {strides = array<i32>} : memref<1040xf32, #tpu.memory_space<vmem>>, vector<16xf32>, vector<16xi1>
      %swap3A_82 = arith.index_cast %scan3A_60 : i32 to index
      %swap3A_83 = tpu.vector_load %arg11[%swap3A_82] masked %and3A_80 {strides = array<i32>} : memref<1040xi32, #tpu.memory_space<vmem>>, vector<16xi32>, vector<16xi1>
      tpu.vector_store %arg11[%swap3A_82], %add3A_73 masked %and3A_80 {strides = array<i32>} : memref<1040xi32, #tpu.memory_space<vmem>>, vector<16xi32>, vector<16xi1>
      %add3A_84 = arith.addi %scan3A_60, %reshape3A : i32
      scf.yield %add3A_84 : i32
    }
    %scan3A_58 = arith.constant 1954 : i32
    "tpu.region"() ({
      %run_scoped3A = tpu.sem_alloc : memref<!tpu.dma_semaphore, #tpu.memory_space<semaphore_mem>>
      %dma_start3A = arith.constant 0 : i32
      %dma_start3A_59 = tpu.memref_slice %arg10[%dma_start3A] : memref<1040xf32, #tpu.memory_space<vmem>> -> memref<1024xf32, #tpu.memory_space<vmem>>
      %dma_start3A_60 = arith.constant 0 : i32
      %dma_start3A_61 = tpu.memref_slice %arg3[%add3A, %dma_start3A_60] : memref<32x1024xf32, #tpu.memory_space<hbm>> -> memref<1x1024xf32, #tpu.memory_space<hbm>>
      %dma_start3A_62 = tpu.memref_squeeze %dma_start3A_61 : memref<1x1024xf32, #tpu.memory_space<hbm>> -> memref<1024xf32, #tpu.memory_space<hbm>>
      %dma_start3A_63 = arith.constant 0 : i32
      %dma_start3A_64 = tpu.memref_slice %arg3[%add3A, %dma_start3A_63] : memref<32x1024xf32, #tpu.memory_space<hbm>> -> memref<1x1024xf32, #tpu.memory_space<hbm>>
      %dma_start3A_65 = tpu.memref_squeeze %dma_start3A_64 : memref<1x1024xf32, #tpu.memory_space<hbm>> -> memref<1024xf32, #tpu.memory_space<hbm>>
      %dma_start3A_66 = arith.constant 0 : i32
      %dma_start3A_67 = tpu.memref_slice %arg10[%dma_start3A_66] : memref<1040xf32, #tpu.memory_space<vmem>> -> memref<1024xf32, #tpu.memory_space<vmem>>
      tpu.enqueue_dma source(%dma_start3A_67 : memref<1024xf32, #tpu.memory_space<vmem>>) target(%dma_start3A_65 : memref<1024xf32, #tpu.memory_space<hbm>>) target_semaphore(%run_scoped3A : memref<!tpu.dma_semaphore, #tpu.memory_space<semaphore_mem>>)
      %dma_wait3A = arith.constant 0 : i32
      %dma_wait3A_68 = tpu.memref_slice %arg10[%dma_wait3A] : memref<1040xf32, #tpu.memory_space<vmem>> -> memref<1024xf32, #tpu.memory_space<vmem>>
      %dma_wait3A_69 = arith.constant 0 : i32
      %dma_wait3A_70 = tpu.memref_slice %arg3[%add3A, %dma_wait3A_69] : memref<32x1024xf32, #tpu.memory_space<hbm>> -> memref<1x1024xf32, #tpu.memory_space<hbm>>
      %dma_wait3A_71 = tpu.memref_squeeze %dma_wait3A_70 : memref<1x1024xf32, #tpu.memory_space<hbm>> -> memref<1024xf32, #tpu.memory_space<hbm>>
      %dma_wait3A_72 = arith.constant 0 : i32
      %dma_wait3A_73 = tpu.memref_slice %arg3[%add3A, %dma_wait3A_72] : memref<32x1024xf32, #tpu.memory_space<hbm>> -> memref<1x1024xf32, #tpu.memory_space<hbm>>
      %dma_wait3A_74 = tpu.memref_squeeze %dma_wait3A_73 : memref<1x1024xf32, #tpu.memory_space<hbm>> -> memref<1024xf32, #tpu.memory_space<hbm>>
      %dma_wait3A_75 = arith.constant 0 : i32
      %dma_wait3A_76 = tpu.memref_slice %arg10[%dma_wait3A_75] : memref<1040xf32, #tpu.memory_space<vmem>> -> memref<1024xf32, #tpu.memory_space<vmem>>
      tpu.wait_dma2 semaphore(%run_scoped3A : memref<!tpu.dma_semaphore, #tpu.memory_space<semaphore_mem>>) src(%dma_wait3A_76 : memref<1024xf32, #tpu.memory_space<vmem>>) dst(%dma_wait3A_74 : memref<1024xf32, #tpu.memory_space<hbm>>)
      tpu.yield
    }) : () -> ()
    "tpu.region"() ({
      %run_scoped3A = tpu.sem_alloc : memref<!tpu.dma_semaphore, #tpu.memory_space<semaphore_mem>>
      %dma_start3A = arith.constant 0 : i32
      %dma_start3A_59 = tpu.memref_slice %arg11[%dma_start3A] : memref<1040xi32, #tpu.memory_space<vmem>> -> memref<1024xi32, #tpu.memory_space<vmem>>
      %dma_start3A_60 = arith.constant 0 : i32
      %dma_start3A_61 = tpu.memref_slice %arg4[%add3A, %dma_start3A_60] : memref<32x1024xi32, #tpu.memory_space<hbm>> -> memref<1x1024xi32, #tpu.memory_space<hbm>>
      %dma_start3A_62 = tpu.memref_squeeze %dma_start3A_61 : memref<1x1024xi32, #tpu.memory_space<hbm>> -> memref<1024xi32, #tpu.memory_space<hbm>>
      %dma_start3A_63 = arith.constant 0 : i32
      %dma_start3A_64 = tpu.memref_slice %arg4[%add3A, %dma_start3A_63] : memref<32x1024xi32, #tpu.memory_space<hbm>> -> memref<1x1024xi32, #tpu.memory_space<hbm>>
      %dma_start3A_65 = tpu.memref_squeeze %dma_start3A_64 : memref<1x1024xi32, #tpu.memory_space<hbm>> -> memref<1024xi32, #tpu.memory_space<hbm>>
      %dma_start3A_66 = arith.constant 0 : i32
      %dma_start3A_67 = tpu.memref_slice %arg11[%dma_start3A_66] : memref<1040xi32, #tpu.memory_space<vmem>> -> memref<1024xi32, #tpu.memory_space<vmem>>
      tpu.enqueue_dma source(%dma_start3A_67 : memref<1024xi32, #tpu.memory_space<vmem>>) target(%dma_start3A_65 : memref<1024xi32, #tpu.memory_space<hbm>>) target_semaphore(%run_scoped3A : memref<!tpu.dma_semaphore, #tpu.memory_space<semaphore_mem>>)
      %dma_wait3A = arith.constant 0 : i32
      %dma_wait3A_68 = tpu.memref_slice %arg11[%dma_wait3A] : memref<1040xi32, #tpu.memory_space<vmem>> -> memref<1024xi32, #tpu.memory_space<vmem>>
      %dma_wait3A_69 = arith.constant 0 : i32
      %dma_wait3A_70 = tpu.memref_slice %arg4[%add3A, %dma_wait3A_69] : memref<32x1024xi32, #tpu.memory_space<hbm>> -> memref<1x1024xi32, #tpu.memory_space<hbm>>
      %dma_wait3A_71 = tpu.memref_squeeze %dma_wait3A_70 : memref<1x1024xi32, #tpu.memory_space<hbm>> -> memref<1024xi32, #tpu.memory_space<hbm>>
      %dma_wait3A_72 = arith.constant 0 : i32
      %dma_wait3A_73 = tpu.memref_slice %arg4[%add3A, %dma_wait3A_72] : memref<32x1024xi32, #tpu.memory_space<hbm>> -> memref<1x1024xi32, #tpu.memory_space<hbm>>
      %dma_wait3A_74 = tpu.memref_squeeze %dma_wait3A_73 : memref<1x1024xi32, #tpu.memory_space<hbm>> -> memref<1024xi32, #tpu.memory_space<hbm>>
      %dma_wait3A_75 = arith.constant 0 : i32
      %dma_wait3A_76 = tpu.memref_slice %arg11[%dma_wait3A_75] : memref<1040xi32, #tpu.memory_space<vmem>> -> memref<1024xi32, #tpu.memory_space<vmem>>
      tpu.wait_dma2 semaphore(%run_scoped3A : memref<!tpu.dma_semaphore, #tpu.memory_space<semaphore_mem>>) src(%dma_wait3A_76 : memref<1024xi32, #tpu.memory_space<vmem>>) dst(%dma_wait3A_74 : memref<1024xi32, #tpu.memory_space<hbm>>)
      tpu.yield
    }) : () -> ()
    return
  }
}

module attributes {stable_mosaic.version = 14 : i64} {
  func.func @_dense_body(%arg0: i32, %arg1: memref<8192x128xf32, #tpu.memory_space<vmem>>, %arg2: memref<128x128xf32, #tpu.memory_space<vmem>>, %arg3: memref<1x128xf32, #tpu.memory_space<vmem>>, %arg4: memref<1x128xf32, #tpu.memory_space<vmem>>, %arg5: memref<1x128xf32, #tpu.memory_space<vmem>>, %arg6: memref<1x128xf32, #tpu.memory_space<vmem>>, %arg7: memref<1x128xf32, #tpu.memory_space<vmem>>, %arg8: memref<128x16xf32, #tpu.memory_space<vmem>>, %arg9: memref<16x1xf32, #tpu.memory_space<vmem>>, %arg10: memref<16x8192xf32, #tpu.memory_space<vmem>>) attributes {dimension_semantics = [#tpu.dimension_semantics<arbitrary>], iteration_bounds = array<i64: 13>, scalar_prefetch = 0 : i64, scratch_operands = 0 : i64, tpu.core_type = #tpu.core_type<tc>, window_params = [{transform_indices = @transform_0, window_bounds = array<i64: 8192, 128>}, {pipeline_mode = #tpu.pipeline_mode<synchronous>, transform_indices = @transform_1, window_bounds = array<i64: 128, 128>}, {pipeline_mode = #tpu.pipeline_mode<synchronous>, transform_indices = @transform_2, window_bounds = array<i64: 1, 128>}, {pipeline_mode = #tpu.pipeline_mode<synchronous>, transform_indices = @transform_3, window_bounds = array<i64: 1, 128>}, {pipeline_mode = #tpu.pipeline_mode<synchronous>, transform_indices = @transform_4, window_bounds = array<i64: 1, 128>}, {pipeline_mode = #tpu.pipeline_mode<synchronous>, transform_indices = @transform_5, window_bounds = array<i64: 1, 128>}, {pipeline_mode = #tpu.pipeline_mode<synchronous>, transform_indices = @transform_6, window_bounds = array<i64: 1, 128>}, {pipeline_mode = #tpu.pipeline_mode<synchronous>, transform_indices = @transform_7, window_bounds = array<i64: 128, 16>}, {pipeline_mode = #tpu.pipeline_mode<synchronous>, transform_indices = @transform_8, window_bounds = array<i64: 16, 1>}, {transform_indices = @transform_9, window_bounds = array<i64: 16, 8192>}]} {
    %get3A = arith.constant 0 : index
    %get3A_0 = arith.constant 0 : index
    %get3A_1 = vector.load %arg1[%get3A, %get3A_0] : memref<8192x128xf32, #tpu.memory_space<vmem>>, vector<8192x128xf32>
    %get3A_2 = arith.constant 0 : index
    %get3A_3 = arith.constant 0 : index
    %get3A_4 = vector.load %arg2[%get3A_2, %get3A_3] : memref<128x128xf32, #tpu.memory_space<vmem>>, vector<128x128xf32>
    %dot_general3A = arith.constant dense<0.000000e+00> : vector<8192x128xf32>
    %dot_general3A_5 = tpu.matmul %get3A_1, %get3A_4, %dot_general3A {dimension_numbers = #tpu.dot_dimension_numbers<[1], [0], [0], [1], [0, 0, 1, 1], [], []>, transpose_lhs_hint = false} : vector<8192x128xf32>, vector<128x128xf32>, vector<8192x128xf32> -> vector<8192x128xf32>
    %get3A_6 = arith.constant 0 : index
    %get3A_7 = arith.constant 0 : index
    %get3A_8 = vector.load %arg3[%get3A_6, %get3A_7] : memref<1x128xf32, #tpu.memory_space<vmem>>, vector<1x128xf32>
    %add3A = vector.broadcast %get3A_8 : vector<1x128xf32> to vector<8192x128xf32>
    %add3A_9 = arith.addf %dot_general3A_5, %add3A : vector<8192x128xf32>
    %get3A_10 = arith.constant 0 : index
    %get3A_11 = arith.constant 0 : index
    %get3A_12 = vector.load %arg4[%get3A_10, %get3A_11] : memref<1x128xf32, #tpu.memory_space<vmem>>, vector<1x128xf32>
    %get3A_13 = arith.constant 0 : index
    %get3A_14 = arith.constant 0 : index
    %get3A_15 = vector.load %arg6[%get3A_13, %get3A_14] : memref<1x128xf32, #tpu.memory_space<vmem>>, vector<1x128xf32>
    %sub3A = vector.broadcast %get3A_15 : vector<1x128xf32> to vector<8192x128xf32>
    %sub3A_16 = arith.subf %add3A_9, %sub3A : vector<8192x128xf32>
    %mul3A = vector.broadcast %get3A_12 : vector<1x128xf32> to vector<8192x128xf32>
    %mul3A_17 = arith.mulf %mul3A, %sub3A_16 : vector<8192x128xf32>
    %get3A_18 = arith.constant 0 : index
    %get3A_19 = arith.constant 0 : index
    %get3A_20 = vector.load %arg7[%get3A_18, %get3A_19] : memref<1x128xf32, #tpu.memory_space<vmem>>, vector<1x128xf32>
    %add3A_21 = arith.constant 9.99999974E-6 : f32
    %add3A_22 = vector.broadcast %add3A_21 : f32 to vector<1x128xf32>
    %add3A_23 = arith.addf %get3A_20, %add3A_22 : vector<1x128xf32>
    %sqrt3A = math.sqrt %add3A_23 : vector<1x128xf32>
    %div3A = vector.broadcast %sqrt3A : vector<1x128xf32> to vector<8192x128xf32>
    %div3A_24 = arith.divf %mul3A_17, %div3A : vector<8192x128xf32>
    %get3A_25 = arith.constant 0 : index
    %get3A_26 = arith.constant 0 : index
    %get3A_27 = vector.load %arg5[%get3A_25, %get3A_26] : memref<1x128xf32, #tpu.memory_space<vmem>>, vector<1x128xf32>
    %add3A_28 = vector.broadcast %get3A_27 : vector<1x128xf32> to vector<8192x128xf32>
    %add3A_29 = arith.addf %div3A_24, %add3A_28 : vector<8192x128xf32>
    %max3A = arith.constant 0.000000e+00 : f32
    %max3A_30 = vector.broadcast %max3A : f32 to vector<8192x128xf32>
    %max3A_31 = arith.maximumf %add3A_29, %max3A_30 : vector<8192x128xf32>
    %get3A_32 = arith.constant 0 : index
    %get3A_33 = arith.constant 0 : index
    %get3A_34 = vector.load %arg8[%get3A_32, %get3A_33] : memref<128x16xf32, #tpu.memory_space<vmem>>, vector<128x16xf32>
    %dot_general3A_35 = arith.constant dense<0.000000e+00> : vector<16x8192xf32>
    %dot_general3A_36 = tpu.matmul %get3A_34, %max3A_31, %dot_general3A_35 {dimension_numbers = #tpu.dot_dimension_numbers<[0], [1], [1], [0], [0, 1, 1, 0], [], []>, transpose_lhs_hint = false} : vector<128x16xf32>, vector<8192x128xf32>, vector<16x8192xf32> -> vector<16x8192xf32>
    %get3A_37 = arith.constant 0 : index
    %get3A_38 = arith.constant 0 : index
    %get3A_39 = vector.load %arg9[%get3A_37, %get3A_38] : memref<16x1xf32, #tpu.memory_space<vmem>>, vector<16x1xf32>
    %add3A_40 = vector.broadcast %get3A_39 : vector<16x1xf32> to vector<16x8192xf32>
    %add3A_41 = arith.addf %dot_general3A_36, %add3A_40 : vector<16x8192xf32>
    %swap3A = arith.constant 0 : index
    %swap3A_42 = arith.constant 0 : index
    %swap3A_43 = vector.load %arg10[%swap3A, %swap3A_42] : memref<16x8192xf32, #tpu.memory_space<vmem>>, vector<16x8192xf32>
    tpu.vector_store %arg10[%swap3A, %swap3A_42], %add3A_41 {strides = array<i32>} : memref<16x8192xf32, #tpu.memory_space<vmem>>, vector<16x8192xf32>,
    return
  }
  func.func @transform_0(%arg0: i32) -> (i32, i32) {
    %c0_i32 = arith.constant 0 : i32
    %c0_i32_0 = arith.constant 0 : i32
    return %arg0, %c0_i32 : i32, i32
  }
  func.func @transform_1(%arg0: i32) -> (i32, i32) {
    %c0_i32 = arith.constant 0 : i32
    %c0_i32_0 = arith.constant 0 : i32
    %c0_i32_1 = arith.constant 0 : i32
    return %c0_i32, %c0_i32_0 : i32, i32
  }
  func.func @transform_2(%arg0: i32) -> (i32, i32) {
    %c0_i32 = arith.constant 0 : i32
    %c0_i32_0 = arith.constant 0 : i32
    %c0_i32_1 = arith.constant 0 : i32
    return %c0_i32, %c0_i32_0 : i32, i32
  }
  func.func @transform_3(%arg0: i32) -> (i32, i32) {
    %c0_i32 = arith.constant 0 : i32
    %c0_i32_0 = arith.constant 0 : i32
    %c0_i32_1 = arith.constant 0 : i32
    return %c0_i32, %c0_i32_0 : i32, i32
  }
  func.func @transform_4(%arg0: i32) -> (i32, i32) {
    %c0_i32 = arith.constant 0 : i32
    %c0_i32_0 = arith.constant 0 : i32
    %c0_i32_1 = arith.constant 0 : i32
    return %c0_i32, %c0_i32_0 : i32, i32
  }
  func.func @transform_5(%arg0: i32) -> (i32, i32) {
    %c0_i32 = arith.constant 0 : i32
    %c0_i32_0 = arith.constant 0 : i32
    %c0_i32_1 = arith.constant 0 : i32
    return %c0_i32, %c0_i32_0 : i32, i32
  }
  func.func @transform_6(%arg0: i32) -> (i32, i32) {
    %c0_i32 = arith.constant 0 : i32
    %c0_i32_0 = arith.constant 0 : i32
    %c0_i32_1 = arith.constant 0 : i32
    return %c0_i32, %c0_i32_0 : i32, i32
  }
  func.func @transform_7(%arg0: i32) -> (i32, i32) {
    %c0_i32 = arith.constant 0 : i32
    %c0_i32_0 = arith.constant 0 : i32
    %c0_i32_1 = arith.constant 0 : i32
    return %c0_i32, %c0_i32_0 : i32, i32
  }
  func.func @transform_8(%arg0: i32) -> (i32, i32) {
    %c0_i32 = arith.constant 0 : i32
    %c0_i32_0 = arith.constant 0 : i32
    %c0_i32_1 = arith.constant 0 : i32
    return %c0_i32, %c0_i32_0 : i32, i32
  }
  func.func @transform_9(%arg0: i32) -> (i32, i32) {
    %c0_i32 = arith.constant 0 : i32
    %c0_i32_0 = arith.constant 0 : i32
    return %c0_i32, %arg0 : i32, i32
  }
}

</mosaic_0001>

<sc_bundles>
// kernel: gather_offload_async_start
scs
__scs_entry_jumppad:
0x0: {  	(pc) =	sbr.rel $0x88, $3  }
0x1: {  	(tag) =	ssettag $0x0;
	lr =	simm.s32 $0x1  }
0x2: {  	[smem:$0x3F98] =	sst lr;
	_ =	strace $0xD0000000  }
0x3: {  	_ = 	snop  }
0x4: {  	_ = 	snop  }
0x5: {  	_ = 	snop  }
0x6: {  	_ = 	snop  }
0x7: {  	_ = 	snop  }
__scs_overlays_trampoline_lowered:
0x8: {  	[smem:$0x3FA7] =	sst s0  }
0x9: {  	[smem:$0x3FA8] =	sst s1  }
0xa: {  	[smem:$0x3FA9] =	sst s2  }
0xb: {  	[smem:$0x3FAA] =	sst s3  }
0xc: {  	[smem:$0x3FAB] =	sst s4  }
0xd: {  	[smem:$0x3FAC] =	sst s5  }
0xe: {  	[smem:$0x3FAD] =	sst s6  }
0xf: {  	[smem:$0x3FAE] =	sst s7  }
0x10: {  	[smem:$0x3FAF] =	sst s8  }
0x11: {  	[smem:$0x3FB0] =	sst s9;
	s0 =	simm.s32 @!p0 $0x0  }
0x12: {  	s1 =	sld [smem:$0x3F96];
	s0 =	simm.s32 @p0 $0x1  }
0x13: {  	[smem:$0x3FB1] =	sst s0;
	s0 =	simm.s32 @!p1 $0x0  }
0x14: {  	s2 =	sld [smem:$0x3F95];
	s0 =	simm.s32 @p1 $0x1  }
0x15: {  	[smem:$0x3FB2] =	sst s0;
	s0 =	simm.s32 @!p2 $0x0  }
0x16: {  	s3 =	sld [smem:$0x3FDB];
	s0 =	simm.s32 @p2 $0x1  }
0x17: {  	s4 =	simm.s32 $0x1BF5;
	[smem:$0x3FB4] =	sst s0  }
0x18: {  	s0 =	sld [smem:$0x3F97];
	_ =	swait.ge [sflag:s4], $0x0  }
0x19: {  	s7 =	sld [smem:$0x3F98]  }
0x1a: {  	s8 =	sadd.s32 $0xFFFFE003, lr  }
0x1b: {  	s9 =	sadd.s32 $0xFFFFFEF7, lr;
	s5 =	simm.s32 $0xFFFFFFFF;
	p2 =	slt.u32 s8, $0xFFFFF086  }
0x1c: {  	p1 =	slt.u32 s9, $0xF7A;
	s5 =	simm.s32 @!p2 $0x0  }
0x1d: {  	s5 =	simm.s32 @p1 $0x1;
	p0 =	seq.s32 s7, s2  }
0x1e: {  	s7 =	smul.u32 @!p0 $0xF7A, s2;
	p2 =	seq.s32 @!p0 s5, $0x0  }
0x1f: {  	s9 =	smul.u32 $0xF7A, s1;
	s8 =	simm.s32 @!p0 $0x1BF5;
	p2 =	por !p2, p0  }
0x20: {  	[sflag:s8] =	ssyncset.s32 @!p0 $0xFFFFF086;
	s6 =	sadd.s32 @!p0 s3, s7;
	s7 =	simm.s32 @!p0 $0x108  }
0x21: {  	s3 =	sadd.s32 s3, s9;
	s6 =	sadd.s32 @!p0 $0x88, s6;
	s7 =	simm.s32 @p2 $0x1082  }
0x22: {  	[simem:s7], [sflag:s8] =	dma.local @!p0 [hbm:s6], $0xF7A  }
0x23: {  	s9 =	sor.u32 $0xD0000000, s2;
	s6 =	simm.s32 $0x108;
	_ =	swait.ge @!p0 [sflag:s8], $0x0  }
0x24: {  	s3 =	sadd.s32 $0x88, s3;
	s6 =	simm.s32 @!p1 $0x1082;
	[sflag:s4] =	ssyncset.s32 $0xFFFFF086  }
0x25: {  	[simem:s6], [sflag:s4] =	dma.local [hbm:s3], $0xF7A  }
0x26: {  	[smem:$0x3F98] =	sst s1;
	(tag) =	ssettag s2;
	_ =	strace s9  }
0x27: {  	s1 =	sld [smem:$0x3FA8]  }
0x28: {  	s2 =	sld [smem:$0x3FA9]  }
0x29: {  	s4 =	sld [smem:$0x3FAB]  }
0x2a: {  	p0 =	seq.s32 s5, $0x0;
	s5 =	sld [smem:$0x3FAC]  }
0x2b: {  	s6 =	sld [smem:$0x3FAD]  }
0x2c: {  	s7 =	sld [smem:$0x3FAE]  }
0x2d: {  	s3 =	simm.s32 $0x108;
	s8 =	sld [smem:$0x3FAF]  }
0x2e: {  	s3 =	simm.s32 @!p0 $0x1082;
	s9 =	sld [smem:$0x3FB0]  }
0x2f: {  	lr =	sadd.s32 s0, s3;
	s0 =	sld [smem:$0x3FA7]  }
0x30: {  	s3 =	sld [smem:$0x3FAA]  }
0x31: {  	[smem:$0x3FB3] =	sst s10  }
0x32: {  	s10 =	sld [smem:$0x3FB1];
	_ =	sdelay $0x3  }
0x33: {  	p0 =	seq.s32 s10, $0x1;
	s10 =	sld [smem:$0x3FB3];
	_ =	sdelay $0x3  }
0x34: {  	[smem:$0x3FB3] =	sst s10  }
0x35: {  	s10 =	sld [smem:$0x3FB2];
	_ =	sdelay $0x3  }
0x36: {  	p1 =	seq.s32 s10, $0x1;
	s10 =	sld [smem:$0x3FB3];
	_ =	sdelay $0x3  }
0x37: {  	[smem:$0x3FB3] =	sst s10  }
0x38: {  	s10 =	sld [smem:$0x3FB4]  }
0x39: {  	_ = 	snop;
	(pc) =	sbr.ind lr, $3  }
0x3a: {  	_ = 	snop  }
0x3b: {  	_ = 	snop  }
0x3c: {  	p2 =	seq.s32 s10, $0x1;
	s10 =	sld [smem:$0x3FB3]  }
0x3d: {  	_ =	shalt  }
0x3e: {  	_ =	shalt  }
0x3f: {  	_ =	shalt  }
0x40: {  	_ =	shalt  }
0x41: {  	_ =	shalt  }
0x42: {  	_ =	shalt  }
0x43: {  	_ =	shalt  }
0x44: {  	_ =	shalt  }
0x45: {  	_ =	shalt  }
0x46: {  	_ =	shalt  }
0x47: {  	_ =	shalt  }
0x48: {  	_ =	shalt  }
0x49: {  	_ =	shalt  }
0x4a: {  	_ =	shalt  }
0x4b: {  	_ =	shalt  }
0x4c: {  	_ =	shalt  }
0x4d: {  	_ =	shalt  }
0x4e: {  	_ =	shalt  }
0x4f: {  	_ =	shalt  }
0x50: {  	_ =	shalt  }
0x51: {  	_ =	shalt  }
0x52: {  	_ =	shalt  }
0x53: {  	_ =	shalt  }
0x54: {  	_ =	shalt  }
0x55: {  	_ =	shalt  }
0x56: {  	_ =	shalt  }
0x57: {  	_ =	shalt  }
0x58: {  	_ =	shalt  }
0x59: {  	_ =	shalt  }
0x5a: {  	_ =	shalt  }
0x5b: {  	_ =	shalt  }
0x5c: {  	_ =	shalt  }
0x5d: {  	_ =	shalt  }
0x5e: {  	_ =	shalt  }
0x5f: {  	_ =	shalt  }
0x60: {  	_ =	shalt  }
0x61: {  	_ =	shalt  }
0x62: {  	_ =	shalt  }
0x63: {  	_ =	shalt  }
0x64: {  	_ =	shalt  }
0x65: {  	_ =	shalt  }
0x66: {  	_ =	shalt  }
0x67: {  	_ =	shalt  }
0x68: {  	_ =	shalt  }
0x69: {  	_ =	shalt  }
0x6a: {  	_ =	shalt  }
0x6b: {  	_ =	shalt  }
0x6c: {  	_ =	shalt  }
0x6d: {  	_ =	shalt  }
0x6e: {  	_ =	shalt  }
0x6f: {  	_ =	shalt  }
0x70: {  	_ =	shalt  }
0x71: {  	_ =	shalt  }
0x72: {  	_ =	shalt  }
0x73: {  	_ =	shalt  }
0x74: {  	_ =	shalt  }
0x75: {  	_ =	shalt  }
0x76: {  	_ =	shalt  }
0x77: {  	_ =	shalt  }
0x78: {  	_ =	shalt  }
0x79: {  	_ =	shalt  }
0x7a: {  	_ =	shalt  }
0x7b: {  	_ =	shalt  }
0x7c: {  	_ =	shalt  }
0x7d: {  	_ =	shalt  }
0x7e: {  	_ =	shalt  }
0x7f: {  	_ =	shalt  }
0x80: {  	_ =	shalt  }
0x81: {  	_ =	shalt  }
0x82: {  	_ =	shalt  }
0x83: {  	_ =	shalt  }
0x84: {  	_ =	shalt  }
0x85: {  	_ =	shalt  }
0x86: {  	_ =	shalt  }
0x87: {  	_ =	shalt  }
.Lfunc_end0:
.L_simem_size_0:
called_computation_lowered:
.L_overlay_start_0:
0x88: {  	s0 =	sld [smem:$0x3FD9]  }
0x89: {  	s1 =	sld [smem:$0x3FFE];
	_ =	sdelay $0x3  }
0x8a: {  	s0 =	sadd.s32 s1, s0  }
0x8b: {  	[smem:$0x3FBF] =	sst s0  }
0x8c: {  	_ = 	snop  }
0x8d: {  	s0 =	sld [smem:$0x3FD0];
	_ =	sdelay $0x2  }
0x8e: {  	s13 =	simm.s32 $0xA;
	s2 =	simm.s32 $0x10  }
0x8f: {  	[smem:s2], [sflag:s13] =	dma.local [hbm:s0], $0x1  }
0x90: {  	_ =	swait.eq [sflag:s13], $0x1  }
0x91: {  	[sflag:s13] =	ssyncset.done $0x0  }
0x92: {  	s14 =	sld [smem:$0x11];
	[sflag:s13] =	ssyncadd.s32 $0xFFFFFFFF  }
0x93: {  	s15 =	sld [smem:$0x12];
	(tm) =	ssettm $0x1  }
0x94: {  	s16 =	sld [smem:$0x3FFB];
	_ =	sdelay $0x3  }
0x95: {  	_ =	strace s16  }
0x96: {  	s2 =	sld [smem:$0x3FFC];
	_ =	sdelay $0x3  }
0x97: {  	_ =	strace s2  }
0x98: {  	s2 =	sld [smem:$0x3FFD];
	_ =	sdelay $0x3  }
0x99: {  	_ =	strace s2  }
0x9a: {  	_ =	strace $0x8FFFFFFF  }
0x9b: {  	s17 =	sld [smem:$0x3FDB];
	_ =	sdelay $0x1  }
0x9c: {  	s3 =	simm.s32 $_scs_section_size  }
0x9d: {  	s4 =	simm.s32 $_size__tile_overlayer_lowered;
	s5 =	simm.s32 $_tile_overlayer_lowered  }
0x9e: {  	s20 =	simm.s32 $0x1BFF;
	s19 =	sshll.u32 s5, $0x1;
	s2 =	sadd.s32 s3, s17  }
0x9f: {  	s6 =	simm.s32 $0x0;
	s18 =	sshll.u32 s4, $0x1;
	s4 =	sadd.s32 s19, s2  }
0xa0: {  	[timem:s6], [sflag:s20] =	dma.local [hbm:s4], s18  }
0xa1: {  	_ =	swait.ge [sflag:s20], s18  }
0xa2: {  	s3 =	ssub.s32 $0x0, s18;
	[sflag:s20] =	ssyncset.done $0x0  }
0xa3: {  	[sflag:s20] =	ssyncadd.s32 s3;
	_ =	sdelay $0x1  }
0xa4: {  	s21 =	simm.s32 $0x1B8B  }
0xa5: {  	_ =	swait.ge [sflag:s21], $0x1  }
0xa6: {  	[sflag:s21] =	ssyncset.done $0x0  }
0xa7: {  	s23 =	simm.s32 $0x1B8E;
	s22 =	sld [smem:$0x3FFE];
	[sflag:s21] =	ssyncadd.s32 $0xFFFFFFFF  }
0xa8: {  	s24 =	simm.s32 $execute0_lowered;
	[smem:$0x3FD2] =	sst s23  }
0xa9: {  	s4 =	sshll.u32 s24, $0x1;
	_ =	strace $0x80000049;
	[dreg:$0x1] =	wrdreg $0xFFFFFFFF  }
0xaa: {  	s25 =	simm.s32 $_size_execute0_lowered;
	s2 =	sadd.s32 s2, s4;
	[dreg:$0x0] =	wrdreg $0x0  }
0xab: {  	s4 =	sshll.u32 s25, $0x1;
	[dreg:$0x2] =	wrdreg s2  }
0xac: {  	[dreg:$0x3] =	wrdreg s4  }
0xad: {  	[dreg:$0x4] =	wrdreg $0xC0  }
0xae: {  	_ =	task [dreg:s6], $0x5FFFF  }
0xaf: {  	[dreg:$0x1] =	wrdreg $0xFFFFFFFF  }
0xb0: {  	[dreg:$0x0] =	wrdreg $0x60  }
0xb1: {  	[dreg:$0x2] =	wrdreg s22  }
0xb2: {  	[dreg:$0x3] =	wrdreg s15  }
0xb3: {  	[dreg:$0x4] =	wrdreg s14  }
0xb4: {  	[dreg:$0x5] =	wrdreg $0x9  }
0xb5: {  	_ =	task.clear_ibuf [dreg:s6], $0x6FFFF;
	_ =	strace $0x90000049  }
0xb6: {  	s26 =	simm.s32 $0x9;
	_ =	strace $0x8000004B  }
0xb7: {  	_ =	swait.ge [sflag:s26], $0x1  }
0xb8: {  	[sflag:s26] =	ssyncadd.s32 $0xFFFFFFFF  }
0xb9: {  	_ =	strace $0x9000004B  }
0xba: {  	_ =	sfence  }
0xbb: {  	s28 =	sld [smem:$0x0];
	_ =	sdelay $0x1  }
0xbc: {  	s29 =	srdreg.scid  }
0xbd: {  	s30 =	sshll.u32 s29, $0xD;
	s31 =	sshrl.u32 s29, $0x2  }
0xbe: {  	s1 =	sand.u32 $0x1, s29;
	s2 =	sand.u32 $0x4000, s30;
	s0 =	sadd.s32 s31, s28  }
0xbf: {  	s1 =	sor.u32 s2, s1;
	s0 =	sshll.u32 s0, $0x11  }
0xc0: {  	s0 =	sor.u32 s0, s1  }
0xc1: {  	s0 =	sadd.s32 $0x8F2B, s0  }
0xc2: {  	[sflag:s0] =	ssyncadd.remote.s32 $0x1  }
0xc3: {  	_ =	sfence.sel $0xFFFF  }
0xc4: {  	[dreg:$0x0] =	wrdreg $0xFFFFFFFF;
	(pc) =	sbr.abs _section_cstart, $3  }
0xc5: {  	[dreg:$0x1] =	wrdreg $0xFFFFFFFF  }
0xc6: {  	_ =	task.clear_ibuf [dreg:s6], $0x2FFFF;
	_ =	strace $0x9FFFFFFF  }
0xc7: {  	(tm) =	ssettm $0x7FFFFFFF  }
tec
execute0_lowered:
.L_overlay_start_1:
0x0: {  	(tag) =	ssettag $0x1  }
0x1: {  	s2 =	rddreg [dreg:$0x0]  }
0x2: {  	s3 =	rddreg [dreg:$0x1]  }
0x3: {  	s4 =	rddreg [dreg:$0x2];
	s1 =	stileid.u32  }
0x4: {  	s0 =	rddreg [dreg:$0x3];
	_ =	strace $0x8000004A;
	s6 =	simm.s32 $0x1  }
0x5: {  	s8 =	simm.s32 $0x2;
	s30 =	simm.s32 $0x3;
	s5 =	sshll.u32 s1, $0x4  }
0x6: {  	s12 =	simm.s32 $0x0;
	s9 =	simm.s32 $0x0;
	s7 =	ssub.s32 $0x1380, s5  }
0x7: {  	s10 =	simm.s32 $0x0;
	[sflag:s6] =	ssyncpa.u1 $0x0;
	s6 =	sshrl.u32 s7, $0x8  }
0x8: {  	[sflag:s8] =	ssyncpa.u1 $0x0;
	s11 =	smov.u32 s5;
	s31 =	sshll.u32 s6, $0x4  }
0x9: {  	[sflag:s30] =	ssyncpa.u1 $0x0;
	s7 =	sadd.s32 $0x2, s6;
	s8 =	sadd.s32 $0x30, s31  }
.LBB2_1:
0xa: {  	p0 =	sgt.u32 s10, s6  }
0xb: {  	s13 =	sxor.u32 @!p0 $0xFFFFFFFF, s9;
	s14 =	sshrl.u32 @!p0 s11, $0x3  }
0xc: {  	s15 =	sand.u32 @!p0 $0x7, s11;
	s13 =	sand.u32 @!p0 $0x10, s13;
	s14 =	sadd.s32 @!p0 s3, s14  }
0xd: {  	[tilespmem:s13], [sflag:$0x2] =	stream.linear.gather @!p0 [hbm4b:s14+s15], $0x10, $0x38;
	[tilespmem:$0x40] =	vst v63  }
0xe: {  	p0 =	seq.s32 s9, $0x0  }
0xf: {  	p1 =	sge.u32 @!p0 s10, s7  }
0x10: {  	p0 =	por p1, p0  }
0x11: {  	s13 =	simm.s32 @!p0 $0x2  }
0x12: {  	_ =	swait.ge @!p0 [sflag:s13], $0x10  }
0x13: {  	[sflag:s13] =	ssyncset.done @!p0 $0x0  }
0x14: {  	[sflag:s13] =	ssyncadd.s32 @!p0 $0xFFFFFFF0;
	s13 =	sand.u32 @!p0 $0x10, s9  }
0x15: {  	(ifvalue) =	ssetifvalue @!p0 $0x7FFFFFFF;
	v0 =	vld.msk @!p0 [tilespmem:s13+$0x0 ss:$0x1], $0xffff;
	_ =	sdelay $0x4  }
0x16: {  	vm0 =	vgt.s32 @!p0 v0, $0x0  }
0x17: {  	v0 =	vnsel @!p0 vm0, $0x0, v0  }
0x18: {  	v0 =	vmin.u32 @!p0 v0, $0x7FFF;
	_ =	sdelay $0x3  }
0x19: {  	s14 =	simm.s32 @!p0 $0x0;
	s13 =	sor.u32 @!p0 $0x20, s13;
	(ifvalue) =	ssetifvalue @!p0 $0x7FFFFFFF;
	vm0 =	vmmov @!p0 $0xffff  }
0x1a: {  	[tilespmem:s13], [sflag:$0x1] =	stream.indirect_vreg.gather @!p0 [hbm4b:s2+s14], $0x1, v0, vm0, $0x4038;
	[tilespmem:$0x40] =	vst v63  }
0x1b: {  	s14 =	simm.s32 @!p0 $0x1  }
0x1c: {  	_ =	swait.ge @!p0 [sflag:s14], $0x10  }
0x1d: {  	s15 =	sshrl.u32 @!p0 s12, $0x3;
	[sflag:s14] =	ssyncset.done @!p0 $0x0  }
0x1e: {  	s12 =	sand.u32 @!p0 $0x7, s12;
	[sflag:s14] =	ssyncadd.s32 @!p0 $0xFFFFFFF0;
	s14 =	sadd.s32 @!p0 s4, s15  }
0x1f: {  	[hbm4b:s14+s12] =	stream.linear.scatter @!p0 [tilespmem:s13], [sflag:$0x3], $0x10, $0x38;
	[tilespmem:$0x40] =	vst v63  }
0x20: {  	s14 =	sadd.s32 $0x100, s11  }
0x21: {  	s9 =	sadd.s32 $0x10, s9;
	p1 =	sgt.s32 s14, $0x1387  }
0x22: {  	s14 =	smov.u32 @p1 s5;
	p1 =	sne.s32 s8, s9  }
.Ltmp0:
0x23: {  	p0 =	slt.u32 s10, $0x2;
	(pc) =	sbr.rel @p1 .LBB2_1-.Ltmp0, $4  }
0x24: {  	s13 =	simm.s32 @!p0 $0x3  }
0x25: {  	_ =	swait.ge @!p0 [sflag:s13], $0x10  }
0x26: {  	s12 =	smov.u32 s11;
	[sflag:s13] =	ssyncset.done @!p0 $0x0  }
0x27: {  	s10 =	sadd.s32 $0x1, s10;
	s11 =	smov.u32 s14;
	[sflag:s13] =	ssyncadd.s32 @!p0 $0xFFFFFFF0  }
0x28: {  	_ =	sfence.sel $0x180000  }
0x29: {  	s2 =	simm.s32 $0x2;
	[bflag:$0x0] =	sbarrier.arrive $0xFFFF  }
0x2a: {  	s30 =	simm.s32 $0x3;
	[sflag:s2] =	ssyncpa.u1 $0x1  }
0x2b: {  	s31 =	simm.s32 $0x1;
	[sflag:s30] =	ssyncpa.u1 $0x1  }
0x2c: {  	[sflag:s31] =	ssyncpa.u1 $0x1  }
0x2d: {  	p0 =	sne.s32 s1, $0x0;
	_ =	strace $0x9000004A  }
0x2e: {  	s0 =	sadd.s32 @!p0 $0x100000, s0;
	[bflag:$0x2] =	sbarrier.arrive $0xFFFF  }
0x2f: {  	[sflag:s0] =	ssyncadd.tile.s32 @!p0 $0x1;
	_ =	shalt  }
.Lfunc_end2:
_tile_overlayer_lowered:
.L_overlay_start_2:
0x30: {  	(tag) =	ssettag $0x2  }
0x31: {  	s0 =	rddreg [dreg:$0x0];
	s2 =	stileid.u32  }
0x32: {  	s1 =	rddreg [dreg:$0x1];
	p0 =	sne.s32 s2, $0x0  }
0x33: {  	s3 =	rddreg [dreg:$0x2];
	[bflag:$0x3] =	sbarrier.arrive $0xFFFF;
	s2 =	simm.s32 @!p0 $0x1C01  }
0x34: {  	[timem:s3], [sflag:s2] =	dma.local @!p0 [hbm:s0], s1  }
0x35: {  	s0 =	simm.s32 @!p0 $0x1  }
0x36: {  	_ =	swait.ge @!p0 [sflag:s0], s1  }
0x37: {  	s1 =	ssub.s32 @!p0 $0x0, s1;
	[sflag:s0] =	ssyncset.done @!p0 $0x0  }
0x38: {  	[sflag:s0] =	ssyncadd.s32 @!p0 s1  }
0x39: {  	[bflag:$0x3] =	sbarrier.arrive $0xFFFF  }
0x3a: {  	_ =	shalt  }

// kernel: kernel.4.cloned.1.call-start
scs
__scs_entry_jumppad:
0x0: {  	(pc) =	sbr.rel $0x88, $3  }
0x1: {  	(tag) =	ssettag $0x0;
	lr =	simm.s32 $0x1  }
0x2: {  	[smem:$0x3F98] =	sst lr;
	_ =	strace $0xD0000000  }
0x3: {  	_ = 	snop  }
0x4: {  	_ = 	snop  }
0x5: {  	_ = 	snop  }
0x6: {  	_ = 	snop  }
0x7: {  	_ = 	snop  }
__scs_overlays_trampoline_lowered:
0x8: {  	[smem:$0x3FA7] =	sst s0  }
0x9: {  	[smem:$0x3FA8] =	sst s1  }
0xa: {  	[smem:$0x3FA9] =	sst s2  }
0xb: {  	[smem:$0x3FAA] =	sst s3  }
0xc: {  	[smem:$0x3FAB] =	sst s4  }
0xd: {  	[smem:$0x3FAC] =	sst s5  }
0xe: {  	[smem:$0x3FAD] =	sst s6  }
0xf: {  	[smem:$0x3FAE] =	sst s7  }
0x10: {  	[smem:$0x3FAF] =	sst s8  }
0x11: {  	[smem:$0x3FB0] =	sst s9;
	s0 =	simm.s32 @!p0 $0x0  }
0x12: {  	s1 =	sld [smem:$0x3F96];
	s0 =	simm.s32 @p0 $0x1  }
0x13: {  	[smem:$0x3FB1] =	sst s0;
	s0 =	simm.s32 @!p1 $0x0  }
0x14: {  	s2 =	sld [smem:$0x3F95];
	s0 =	simm.s32 @p1 $0x1  }
0x15: {  	[smem:$0x3FB2] =	sst s0;
	s0 =	simm.s32 @!p2 $0x0  }
0x16: {  	s3 =	sld [smem:$0x3FDB];
	s0 =	simm.s32 @p2 $0x1  }
0x17: {  	s4 =	simm.s32 $0x1BF5;
	[smem:$0x3FB4] =	sst s0  }
0x18: {  	s0 =	sld [smem:$0x3F97];
	_ =	swait.ge [sflag:s4], $0x0  }
0x19: {  	s7 =	sld [smem:$0x3F98]  }
0x1a: {  	s8 =	sadd.s32 $0xFFFFE003, lr  }
0x1b: {  	s9 =	sadd.s32 $0xFFFFFEF7, lr;
	s5 =	simm.s32 $0xFFFFFFFF;
	p2 =	slt.u32 s8, $0xFFFFF086  }
0x1c: {  	p1 =	slt.u32 s9, $0xF7A;
	s5 =	simm.s32 @!p2 $0x0  }
0x1d: {  	s5 =	simm.s32 @p1 $0x1;
	p0 =	seq.s32 s7, s2  }
0x1e: {  	s7 =	smul.u32 @!p0 $0xF7A, s2;
	p2 =	seq.s32 @!p0 s5, $0x0  }
0x1f: {  	s9 =	smul.u32 $0xF7A, s1;
	s8 =	simm.s32 @!p0 $0x1BF5;
	p2 =	por !p2, p0  }
0x20: {  	[sflag:s8] =	ssyncset.s32 @!p0 $0xFFFFF086;
	s6 =	sadd.s32 @!p0 s3, s7;
	s7 =	simm.s32 @!p0 $0x108  }
0x21: {  	s3 =	sadd.s32 s3, s9;
	s6 =	sadd.s32 @!p0 $0x88, s6;
	s7 =	simm.s32 @p2 $0x1082  }
0x22: {  	[simem:s7], [sflag:s8] =	dma.local @!p0 [hbm:s6], $0xF7A  }
0x23: {  	s9 =	sor.u32 $0xD0000000, s2;
	s6 =	simm.s32 $0x108;
	_ =	swait.ge @!p0 [sflag:s8], $0x0  }
0x24: {  	s3 =	sadd.s32 $0x88, s3;
	s6 =	simm.s32 @!p1 $0x1082;
	[sflag:s4] =	ssyncset.s32 $0xFFFFF086  }
0x25: {  	[simem:s6], [sflag:s4] =	dma.local [hbm:s3], $0xF7A  }
0x26: {  	[smem:$0x3F98] =	sst s1;
	(tag) =	ssettag s2;
	_ =	strace s9  }
0x27: {  	s1 =	sld [smem:$0x3FA8]  }
0x28: {  	s2 =	sld [smem:$0x3FA9]  }
0x29: {  	s4 =	sld [smem:$0x3FAB]  }
0x2a: {  	p0 =	seq.s32 s5, $0x0;
	s5 =	sld [smem:$0x3FAC]  }
0x2b: {  	s6 =	sld [smem:$0x3FAD]  }
0x2c: {  	s7 =	sld [smem:$0x3FAE]  }
0x2d: {  	s3 =	simm.s32 $0x108;
	s8 =	sld [smem:$0x3FAF]  }
0x2e: {  	s3 =	simm.s32 @!p0 $0x1082;
	s9 =	sld [smem:$0x3FB0]  }
0x2f: {  	lr =	sadd.s32 s0, s3;
	s0 =	sld [smem:$0x3FA7]  }
0x30: {  	s3 =	sld [smem:$0x3FAA]  }
0x31: {  	[smem:$0x3FB3] =	sst s10  }
0x32: {  	s10 =	sld [smem:$0x3FB1];
	_ =	sdelay $0x3  }
0x33: {  	p0 =	seq.s32 s10, $0x1;
	s10 =	sld [smem:$0x3FB3];
	_ =	sdelay $0x3  }
0x34: {  	[smem:$0x3FB3] =	sst s10  }
0x35: {  	s10 =	sld [smem:$0x3FB2];
	_ =	sdelay $0x3  }
0x36: {  	p1 =	seq.s32 s10, $0x1;
	s10 =	sld [smem:$0x3FB3];
	_ =	sdelay $0x3  }
0x37: {  	[smem:$0x3FB3] =	sst s10  }
0x38: {  	s10 =	sld [smem:$0x3FB4]  }
0x39: {  	_ = 	snop;
	(pc) =	sbr.ind lr, $3  }
0x3a: {  	_ = 	snop  }
0x3b: {  	_ = 	snop  }
0x3c: {  	p2 =	seq.s32 s10, $0x1;
	s10 =	sld [smem:$0x3FB3]  }
0x3d: {  	_ =	shalt  }
0x3e: {  	_ =	shalt  }
0x3f: {  	_ =	shalt  }
0x40: {  	_ =	shalt  }
0x41: {  	_ =	shalt  }
0x42: {  	_ =	shalt  }
0x43: {  	_ =	shalt  }
0x44: {  	_ =	shalt  }
0x45: {  	_ =	shalt  }
0x46: {  	_ =	shalt  }
0x47: {  	_ =	shalt  }
0x48: {  	_ =	shalt  }
0x49: {  	_ =	shalt  }
0x4a: {  	_ =	shalt  }
0x4b: {  	_ =	shalt  }
0x4c: {  	_ =	shalt  }
0x4d: {  	_ =	shalt  }
0x4e: {  	_ =	shalt  }
0x4f: {  	_ =	shalt  }
0x50: {  	_ =	shalt  }
0x51: {  	_ =	shalt  }
0x52: {  	_ =	shalt  }
0x53: {  	_ =	shalt  }
0x54: {  	_ =	shalt  }
0x55: {  	_ =	shalt  }
0x56: {  	_ =	shalt  }
0x57: {  	_ =	shalt  }
0x58: {  	_ =	shalt  }
0x59: {  	_ =	shalt  }
0x5a: {  	_ =	shalt  }
0x5b: {  	_ =	shalt  }
0x5c: {  	_ =	shalt  }
0x5d: {  	_ =	shalt  }
0x5e: {  	_ =	shalt  }
0x5f: {  	_ =	shalt  }
0x60: {  	_ =	shalt  }
0x61: {  	_ =	shalt  }
0x62: {  	_ =	shalt  }
0x63: {  	_ =	shalt  }
0x64: {  	_ =	shalt  }
0x65: {  	_ =	shalt  }
0x66: {  	_ =	shalt  }
0x67: {  	_ =	shalt  }
0x68: {  	_ =	shalt  }
0x69: {  	_ =	shalt  }
0x6a: {  	_ =	shalt  }
0x6b: {  	_ =	shalt  }
0x6c: {  	_ =	shalt  }
0x6d: {  	_ =	shalt  }
0x6e: {  	_ =	shalt  }
0x6f: {  	_ =	shalt  }
0x70: {  	_ =	shalt  }
0x71: {  	_ =	shalt  }
0x72: {  	_ =	shalt  }
0x73: {  	_ =	shalt  }
0x74: {  	_ =	shalt  }
0x75: {  	_ =	shalt  }
0x76: {  	_ =	shalt  }
0x77: {  	_ =	shalt  }
0x78: {  	_ =	shalt  }
0x79: {  	_ =	shalt  }
0x7a: {  	_ =	shalt  }
0x7b: {  	_ =	shalt  }
0x7c: {  	_ =	shalt  }
0x7d: {  	_ =	shalt  }
0x7e: {  	_ =	shalt  }
0x7f: {  	_ =	shalt  }
0x80: {  	_ =	shalt  }
0x81: {  	_ =	shalt  }
0x82: {  	_ =	shalt  }
0x83: {  	_ =	shalt  }
0x84: {  	_ =	shalt  }
0x85: {  	_ =	shalt  }
0x86: {  	_ =	shalt  }
0x87: {  	_ =	shalt  }
.Lfunc_end0:
.L_simem_size_0:
called_computation.1_lowered:
.L_overlay_start_0:
0x88: {  	s2 =	sld [smem:$0x3FD9]  }
0x89: {  	s3 =	sld [smem:$0x3FFE];
	_ =	sdelay $0x1  }
0x8a: {  	s1 =	srdreg.scid  }
0x8b: {  	s0 =	sand.u32 $0x1, s1  }
0x8c: {  	s16 =	sshll.u32 s0, $0xA;
	s2 =	sadd.s32 s3, s2  }
0x8d: {  	s2 =	sadd.s32 s2, s16  }
0x8e: {  	[smem:$0x3FBF] =	sst s2  }
0x8f: {  	_ = 	snop  }
0x90: {  	(tm) =	ssettm $0x1  }
0x91: {  	s17 =	sld [smem:$0x3FFB];
	_ =	sdelay $0x3  }
0x92: {  	_ =	strace s17  }
0x93: {  	s2 =	sld [smem:$0x3FFC];
	_ =	sdelay $0x3  }
0x94: {  	_ =	strace s2  }
0x95: {  	s2 =	sld [smem:$0x3FFD];
	_ =	sdelay $0x3  }
0x96: {  	_ =	strace s2  }
0x97: {  	_ =	strace $0x8FFFFFFF  }
0x98: {  	s18 =	sld [smem:$0x3FDB];
	_ =	sdelay $0x1  }
0x99: {  	s19 =	simm.s32 $_scs_section_size  }
0x9a: {  	s4 =	simm.s32 $_size__tile_overlayer_lowered;
	s5 =	simm.s32 $_tile_overlayer_lowered  }
0x9b: {  	s22 =	simm.s32 $0x1BFF;
	s21 =	sshll.u32 s5, $0x1;
	s2 =	sadd.s32 s19, s18  }
0x9c: {  	s6 =	simm.s32 $0x0;
	s20 =	sshll.u32 s4, $0x1;
	s4 =	sadd.s32 s21, s2  }
0x9d: {  	[timem:s6], [sflag:s22] =	dma.local [hbm:s4], s20  }
0x9e: {  	_ =	swait.ge [sflag:s22], s20  }
0x9f: {  	s3 =	ssub.s32 $0x0, s20;
	[sflag:s22] =	ssyncset.done $0x0  }
0xa0: {  	[sflag:s22] =	ssyncadd.s32 s3;
	_ =	sdelay $0x1  }
0xa1: {  	s23 =	simm.s32 $0x1B8B  }
0xa2: {  	_ =	swait.ge [sflag:s23], $0x1  }
0xa3: {  	[sflag:s23] =	ssyncset.done $0x0  }
0xa4: {  	s25 =	simm.s32 $0x1B8E;
	s24 =	sld [smem:$0x3FFE];
	[sflag:s23] =	ssyncadd.s32 $0xFFFFFFFF  }
0xa5: {  	s26 =	simm.s32 $execute0_lowered;
	[smem:$0x3FD2] =	sst s25  }
0xa6: {  	s4 =	sshll.u32 s26, $0x1;
	_ =	strace $0x80000046;
	[dreg:$0x1] =	wrdreg $0xFFFFFFFF  }
0xa7: {  	s28 =	simm.s32 $_size_execute0_lowered;
	s2 =	sadd.s32 s2, s4;
	[dreg:$0x0] =	wrdreg $0x0  }
0xa8: {  	s4 =	sshll.u32 s28, $0x1;
	[dreg:$0x2] =	wrdreg s2  }
0xa9: {  	[dreg:$0x3] =	wrdreg s4  }
0xaa: {  	[dreg:$0x4] =	wrdreg $0xC0  }
0xab: {  	_ =	task [dreg:s6], $0x5FFFF  }
0xac: {  	[dreg:$0x1] =	wrdreg $0xFFFFFFFF  }
0xad: {  	[dreg:$0x0] =	wrdreg $0x60  }
0xae: {  	[dreg:$0x2] =	wrdreg s24  }
0xaf: {  	[dreg:$0x3] =	wrdreg $0x147800  }
0xb0: {  	[dreg:$0x4] =	wrdreg $0x9  }
0xb1: {  	_ =	task.clear_ibuf [dreg:s6], $0x5FFFF;
	_ =	strace $0x90000046  }
0xb2: {  	s29 =	simm.s32 $0x9;
	_ =	strace $0x80000048  }
0xb3: {  	_ =	swait.ge [sflag:s29], $0x1  }
0xb4: {  	[sflag:s29] =	ssyncadd.s32 $0xFFFFFFFF  }
0xb5: {  	_ =	strace $0x90000048  }
0xb6: {  	_ =	sfence  }
0xb7: {  	s30 =	sld [smem:$0x0];
	_ =	sdelay $0x2  }
0xb8: {  	s31 =	sshll.u32 s1, $0xD;
	s1 =	sshrl.u32 s1, $0x2  }
0xb9: {  	s3 =	sand.u32 $0x4000, s31;
	s1 =	sadd.s32 s1, s30  }
0xba: {  	s0 =	sor.u32 s3, s0;
	s1 =	sshll.u32 s1, $0x11  }
0xbb: {  	s0 =	sor.u32 s1, s0  }
0xbc: {  	s0 =	sadd.s32 $0x8F2B, s0  }
0xbd: {  	[sflag:s0] =	ssyncadd.remote.s32 $0x1  }
0xbe: {  	_ =	sfence.sel $0xFFFF  }
0xbf: {  	[dreg:$0x0] =	wrdreg $0xFFFFFFFF;
	(pc) =	sbr.abs _section_cstart, $3  }
0xc0: {  	[dreg:$0x1] =	wrdreg $0xFFFFFFFF  }
0xc1: {  	_ =	task.clear_ibuf [dreg:s6], $0x2FFFF;
	_ =	strace $0x9FFFFFFF  }
0xc2: {  	(tm) =	ssettm $0x7FFFFFFF  }
0xc3: {  	_ =	shalt  }
tec
execute0_lowered:
.L_overlay_start_1:
0x0: {  	(tag) =	ssettag $0x1  }
0x1: {  	s4 =	rddreg [dreg:$0x0]  }
0x2: {  	s0 =	srdreg.scid;
	s2 =	rddreg [dreg:$0x1]  }
0x3: {  	s1 =	stileid.u32;
	s11 =	simm.s32 $0x7A80;
	s12 =	simm.s32 $0xBA80  }
0x4: {  	s13 =	simm.s32 $0x80;
	s14 =	simm.s32 $0x400;
	s16 =	simm.s32 $0x14300  }
0x5: {  	s17 =	simm.s32 $0x0;
	s0 =	sand.u32 $0x1, s0;
	s7 =	sshll.u32 s1, $0x4  }
0x6: {  	s31 =	sshll.u32 s1, $0xA;
	s10 =	smul.u32 $0x7A20, s1;
	s3 =	sshll.u32 s0, $0x4  }
0x7: {  	s30 =	ssub.s32 $0x2, s0;
	s0 =	smul.u32 $0x7A200, s0;
	s5 =	sor.u32 s1, s3  }
0x8: {  	s3 =	simm.s32 $0x0;
	s8 =	sshrl.u32 s30, $0x1;
	s6 =	sshll.u32 s5, $0x7  }
0x9: {  	[smem:$0x7FF] =	sst s3;
	s5 =	smul.u32 $0x7A20, s5;
	s6 =	sor.u32 s7, s6  }
0xa: {  	v0 =	vlaneseq.u32;
	s8 =	ssub.s32 s30, s8;
	_ =	strace $0x80000047;
	s6 =	sand.u32 $0xC70, s6  }
0xb: {  	v3 =	vmul.u32 $0xFFFFFFFF, v0;
	s8 =	smax.u32 s8, $0x1;
	s5 =	sshrl.u32 s5, $0x3;
	s9 =	sadd.s32 s6, s4  }
0xc: {  	v1 =	vimm.s32 $0x0;
	v5 =	vimm.f32 $0.0e+00;
	vm0 =	vmxor vm0, vm0;
	s4 =	sadd.s32 s4, s5;
	s5 =	sadd.s32 s31, s2;
	s6 =	sadd.s32 $0x1EA00, s9  }
0xd: {  	v2 =	vmul.u32 $0x400, v0;
	v4 =	vor.u32 $0x80000000, v0;
	v3 =	vadd.s32 $0xF, v3;
	s7 =	sadd.s32 $0x1FA00, s9;
	s9 =	sadd.s32 s10, s0;
	s10 =	simm.s32 $0x1  }
.LBB2_1:
0xe: {  	[tilespmem:s3], [sflag:$0x1] =	stream.linear.gather [hbm4b:s4+s3], $0x7A20, $0x38;
	[tilespmem:$0x14B80] =	vst v63  }
0xf: {  	_ =	swait.ge [sflag:s10], $0x7A20  }
0x10: {  	[sflag:s10] =	ssyncset.done $0x0  }
0x11: {  	s0 =	simm.s32 $0x40;
	s18 =	simm.s32 $0x0;
	[sflag:s10] =	ssyncadd.s32 $0xFFFF85E0  }
.LBB2_2:
0x12: {  	p0 =	sne.s32 s0, $0xFFC0;
	[tilespmem:s18+$0x7A80] =	vst v1;
	s19 =	smov.u32 s0;
	s0 =	sadd.s32 $0x40, s0  }
.Ltmp0:
0x13: {  	[tilespmem:s18+$0xBA80] =	vst v1;
	(pc) =	sbr.rel @p0 .LBB2_2-.Ltmp0, $2  }
0x14: {  	_ =	sdelay $0x2  }
0x15: {  	s18 =	sshra.s32 s19, $0x2  }
0x16: {  	[tilespmem:s18+$0x7A80] =	vst v1  }
0x17: {  	s0 =	simm.s32 $0x0;
	[tilespmem:s18+$0xBA80] =	vst v1  }
.LBB2_4:
0x18: {  	s18 =	sshra.s32 s0, $0x2  }
0x19: {  	v6 =	vld [tilespmem:s18+$0x0];
	_ =	sdelay $0x4  }
0x1a: {  	v6 =	vmul.f32 $1.024000000e+03, v6;
	_ =	sdelay $0x1  }
0x1b: {  	v6 =	vtrunc.f32 v6  }
0x1c: {  	v6 =	vcvt.f32.s32 v6;
	_ =	sdelay $0x1  }
0x1d: {  	vm1 =	vlt.s32 v6, $0x3FF  }
0x1e: {  	v6 =	vnsel vm1, $0x3FF, v6  }
0x1f: {  	v6 =	vadd.s32 v2, v6;
	_ =	sdelay $0x4  }
0x20: {  	v7 =	vld.idx.msk [tilespmem:v6+s11+$0x0], $0xffff;
	_ =	sdelay $0x4  }
0x21: {  	v7 =	vadd.s32 $0x1, v7  }
0x22: {  	[tilespmem:v6+s11+$0x0] =	vst.idx.msk $0xffff, v7  }
0x23: {  	v6 =	vld [tilespmem:s18+$0x10];
	_ =	sdelay $0x4  }
0x24: {  	v6 =	vmul.f32 $1.024000000e+03, v6;
	_ =	sdelay $0x1  }
0x25: {  	v6 =	vtrunc.f32 v6  }
0x26: {  	v6 =	vcvt.f32.s32 v6;
	_ =	sdelay $0x1  }
0x27: {  	vm1 =	vlt.s32 v6, $0x3FF  }
0x28: {  	v6 =	vnsel vm1, $0x3FF, v6  }
0x29: {  	v6 =	vadd.s32 v2, v6;
	_ =	sdelay $0x4  }
0x2a: {  	v7 =	vld.idx.msk [tilespmem:v6+s12+$0x0], $0xffff  }
0x2b: {  	p0 =	sne.s32 s0, $0x1E800  }
.Ltmp1:
0x2c: {  	_ = 	snop;
	(pc) =	sbr.rel @p0 .LBB2_4-.Ltmp1, $3  }
0x2d: {  	_ =	sdelay $0x1  }
0x2e: {  	v7 =	vadd.s32 $0x1, v7  }
0x2f: {  	s0 =	sadd.s32 $0x80, s0;
	[tilespmem:v6+s12+$0x0] =	vst.idx.msk $0xffff, v7  }
0x30: {  	s18 =	simm.s32 $0x0  }
0x31: {  	v6 =	vld [tilespmem:s18+$0x7A80]  }
0x32: {  	v7 =	vld [tilespmem:s18+$0xBA80]  }
0x33: {  	v8 =	vld [tilespmem:s18+$0x7E80]  }
0x34: {  	v9 =	vld [tilespmem:s18+$0xBE80]  }
0x35: {  	v10 =	vld [tilespmem:s18+$0x8280]  }
0x36: {  	v11 =	vld [tilespmem:s18+$0xC280]  }
0x37: {  	v6 =	vadd.s32 v6, v7;
	v7 =	vld [tilespmem:s18+$0x8680]  }
0x38: {  	v6 =	vadd.s32 v8, v6;
	v8 =	vld [tilespmem:s18+$0xC680]  }
0x39: {  	v6 =	vadd.s32 v9, v6;
	v9 =	vld [tilespmem:s18+$0x8A80]  }
0x3a: {  	v6 =	vadd.s32 v10, v6;
	v10 =	vld [tilespmem:s18+$0xCA80]  }
0x3b: {  	v6 =	vadd.s32 v11, v6;
	v11 =	vld [tilespmem:s18+$0x8E80]  }
0x3c: {  	v6 =	vadd.s32 v7, v6;
	v7 =	vld [tilespmem:s18+$0xCE80]  }
0x3d: {  	v6 =	vadd.s32 v8, v6;
	v8 =	vld [tilespmem:s18+$0x9280]  }
0x3e: {  	v6 =	vadd.s32 v9, v6;
	v9 =	vld [tilespmem:s18+$0xD280]  }
0x3f: {  	v6 =	vadd.s32 v10, v6;
	v10 =	vld [tilespmem:s18+$0x9680]  }
0x40: {  	v6 =	vadd.s32 v11, v6;
	v11 =	vld [tilespmem:s18+$0xD680]  }
0x41: {  	v6 =	vadd.s32 v7, v6;
	v7 =	vld [tilespmem:s18+$0x9A80]  }
0x42: {  	v6 =	vadd.s32 v8, v6;
	v8 =	vld [tilespmem:s18+$0xDA80]  }
0x43: {  	v6 =	vadd.s32 v9, v6;
	v9 =	vld [tilespmem:s18+$0x9E80]  }
0x44: {  	v6 =	vadd.s32 v10, v6;
	v10 =	vld [tilespmem:s18+$0xDE80]  }
0x45: {  	v6 =	vadd.s32 v11, v6;
	v11 =	vld [tilespmem:s18+$0xA280]  }
0x46: {  	v6 =	vadd.s32 v7, v6;
	v7 =	vld [tilespmem:s18+$0xE280]  }
0x47: {  	v6 =	vadd.s32 v8, v6;
	v8 =	vld [tilespmem:s18+$0xA680]  }
0x48: {  	v6 =	vadd.s32 v9, v6;
	v9 =	vld [tilespmem:s18+$0xE680]  }
0x49: {  	v6 =	vadd.s32 v10, v6;
	v10 =	vld [tilespmem:s18+$0xAA80]  }
0x4a: {  	v6 =	vadd.s32 v11, v6;
	v11 =	vld [tilespmem:s18+$0xEA80]  }
0x4b: {  	v12 =	vld [tilespmem:s18+$0xAE80];
	v6 =	vadd.s32 v7, v6  }
0x4c: {  	v13 =	vld [tilespmem:s18+$0xEE80];
	v6 =	vadd.s32 v8, v6  }
0x4d: {  	v7 =	vld [tilespmem:s18+$0xB280];
	v6 =	vadd.s32 v9, v6  }
0x4e: {  	v8 =	vld [tilespmem:s18+$0xF280];
	v6 =	vadd.s32 v10, v6  }
0x4f: {  	v9 =	vld [tilespmem:s18+$0xB680];
	v6 =	vadd.s32 v11, v6  }
0x50: {  	s20 =	simm.s32 $0x10;
	v10 =	vld [tilespmem:s18+$0xF680];
	v11 =	vadd.s32 v12, v6  }
0x51: {  	s19 =	simm.s32 $0x80;
	v6 =	vld [tilespmem:s20+$0x7A80];
	v11 =	vadd.s32 v13, v11  }
.LBB2_6:
0x52: {  	p0 =	sne.s32 s19, $0xFC0;
	v12 =	vld [tilespmem:s20+$0xBA80];
	v7 =	vadd.s32 v7, v11  }
0x53: {  	v11 =	vld [tilespmem:s20+$0x7E80];
	v7 =	vadd.s32 v8, v7  }
0x54: {  	v8 =	vld [tilespmem:s20+$0xBE80];
	v7 =	vadd.s32 v9, v7  }
0x55: {  	v9 =	vld [tilespmem:s20+$0x8280];
	v7 =	vadd.s32 v10, v7  }
0x56: {  	v10 =	vld [tilespmem:s20+$0xC280];
	[tilespmem:s18+$0xFA80] =	vst v7;
	s18 =	smov.u32 s20  }
0x57: {  	v6 =	vadd.s32 v6, v12;
	v7 =	vld [tilespmem:s18+$0x8680]  }
0x58: {  	v6 =	vadd.s32 v11, v6;
	v11 =	vld [tilespmem:s18+$0xC680]  }
0x59: {  	v6 =	vadd.s32 v8, v6;
	v8 =	vld [tilespmem:s18+$0x8A80]  }
0x5a: {  	v6 =	vadd.s32 v9, v6;
	v9 =	vld [tilespmem:s18+$0xCA80]  }
0x5b: {  	v6 =	vadd.s32 v10, v6;
	v10 =	vld [tilespmem:s18+$0x8E80]  }
0x5c: {  	v6 =	vadd.s32 v7, v6;
	v7 =	vld [tilespmem:s18+$0xCE80]  }
0x5d: {  	v6 =	vadd.s32 v11, v6;
	v11 =	vld [tilespmem:s18+$0x9280]  }
0x5e: {  	v6 =	vadd.s32 v8, v6;
	v8 =	vld [tilespmem:s18+$0xD280]  }
0x5f: {  	v6 =	vadd.s32 v9, v6;
	v9 =	vld [tilespmem:s18+$0x9680]  }
0x60: {  	v6 =	vadd.s32 v10, v6;
	v10 =	vld [tilespmem:s18+$0xD680]  }
0x61: {  	v6 =	vadd.s32 v7, v6;
	v7 =	vld [tilespmem:s18+$0x9A80]  }
0x62: {  	v6 =	vadd.s32 v11, v6;
	v11 =	vld [tilespmem:s18+$0xDA80]  }
0x63: {  	v6 =	vadd.s32 v8, v6;
	v8 =	vld [tilespmem:s18+$0x9E80]  }
0x64: {  	v6 =	vadd.s32 v9, v6;
	v9 =	vld [tilespmem:s18+$0xDE80]  }
0x65: {  	v6 =	vadd.s32 v10, v6;
	v10 =	vld [tilespmem:s18+$0xA280]  }
0x66: {  	v6 =	vadd.s32 v7, v6;
	v7 =	vld [tilespmem:s18+$0xE280]  }
0x67: {  	v6 =	vadd.s32 v11, v6;
	v11 =	vld [tilespmem:s18+$0xA680]  }
0x68: {  	v6 =	vadd.s32 v8, v6;
	v8 =	vld [tilespmem:s18+$0xE680]  }
0x69: {  	v6 =	vadd.s32 v9, v6;
	v9 =	vld [tilespmem:s18+$0xAA80]  }
0x6a: {  	v6 =	vadd.s32 v10, v6;
	v10 =	vld [tilespmem:s18+$0xEA80]  }
0x6b: {  	v6 =	vadd.s32 v7, v6;
	v12 =	vld [tilespmem:s18+$0xAE80]  }
0x6c: {  	v6 =	vadd.s32 v11, v6;
	v11 =	vld [tilespmem:s18+$0xEE80]  }
.Ltmp2:
0x6d: {  	v6 =	vadd.s32 v8, v6;
	v7 =	vld [tilespmem:s18+$0xB280];
	(pc) =	sbr.rel @p0 .LBB2_6-.Ltmp2, $4  }
0x6e: {  	v6 =	vadd.s32 v9, v6;
	v8 =	vld [tilespmem:s18+$0xF280]  }
0x6f: {  	v6 =	vadd.s32 v10, v6;
	v9 =	vld [tilespmem:s18+$0xB680]  }
0x70: {  	s20 =	sshra.s32 s19, $0x2;
	v12 =	vadd.s32 v12, v6;
	v10 =	vld [tilespmem:s18+$0xF680]  }
0x71: {  	s19 =	sadd.s32 $0x40, s19;
	v6 =	vld [tilespmem:s20+$0x7A80];
	v11 =	vadd.s32 v11, v12  }
0x72: {  	v12 =	vld [tilespmem:s20+$0xBA80];
	v7 =	vadd.s32 v7, v11  }
0x73: {  	v37 =	vld [tilespmem:s20+$0x7E80];
	v7 =	vadd.s32 v8, v7  }
0x74: {  	v8 =	vld [tilespmem:s20+$0xBE80];
	v7 =	vadd.s32 v9, v7  }
0x75: {  	v38 =	vld [tilespmem:s20+$0x8280];
	v7 =	vadd.s32 v10, v7  }
0x76: {  	v39 =	vld [tilespmem:s20+$0xC280];
	[tilespmem:s18+$0xFA80] =	vst v7  }
0x77: {  	v6 =	vadd.s32 v6, v12;
	v7 =	vld [tilespmem:s20+$0x8680]  }
0x78: {  	v40 =	vld [tilespmem:s20+$0xC680];
	v6 =	vadd.s32 v37, v6  }
0x79: {  	v6 =	vadd.s32 v8, v6;
	v8 =	vld [tilespmem:s20+$0x8A80]  }
0x7a: {  	v41 =	vld [tilespmem:s20+$0xCA80];
	v6 =	vadd.s32 v38, v6  }
0x7b: {  	v42 =	vld [tilespmem:s20+$0x8E80];
	v6 =	vadd.s32 v39, v6  }
0x7c: {  	v6 =	vadd.s32 v7, v6;
	v7 =	vld [tilespmem:s20+$0xCE80]  }
0x7d: {  	v43 =	vld [tilespmem:s20+$0x9280];
	v6 =	vadd.s32 v40, v6  }
0x7e: {  	v6 =	vadd.s32 v8, v6;
	v8 =	vld [tilespmem:s20+$0xD280]  }
0x7f: {  	v44 =	vld [tilespmem:s20+$0x9680];
	v6 =	vadd.s32 v41, v6  }
0x80: {  	v45 =	vld [tilespmem:s20+$0xD680];
	v6 =	vadd.s32 v42, v6  }
0x81: {  	v6 =	vadd.s32 v7, v6;
	v7 =	vld [tilespmem:s20+$0x9A80]  }
0x82: {  	v46 =	vld [tilespmem:s20+$0xDA80];
	v6 =	vadd.s32 v43, v6  }
0x83: {  	v6 =	vadd.s32 v8, v6;
	v8 =	vld [tilespmem:s20+$0x9E80]  }
0x84: {  	v47 =	vld [tilespmem:s20+$0xDE80];
	v6 =	vadd.s32 v44, v6  }
0x85: {  	v48 =	vld [tilespmem:s20+$0xA280];
	v6 =	vadd.s32 v45, v6  }
0x86: {  	v6 =	vadd.s32 v7, v6;
	v7 =	vld [tilespmem:s20+$0xE280]  }
0x87: {  	v49 =	vld [tilespmem:s20+$0xA680];
	v6 =	vadd.s32 v46, v6  }
0x88: {  	v6 =	vadd.s32 v8, v6;
	v8 =	vld [tilespmem:s20+$0xE680]  }
0x89: {  	v50 =	vld [tilespmem:s20+$0xAA80];
	v6 =	vadd.s32 v47, v6  }
0x8a: {  	v51 =	vld [tilespmem:s20+$0xEA80];
	v6 =	vadd.s32 v48, v6  }
0x8b: {  	v6 =	vadd.s32 v7, v6;
	v7 =	vld [tilespmem:s20+$0xAE80]  }
0x8c: {  	v52 =	vld [tilespmem:s20+$0xEE80];
	v6 =	vadd.s32 v49, v6  }
0x8d: {  	v6 =	vadd.s32 v8, v6;
	v8 =	vld [tilespmem:s20+$0xB280]  }
0x8e: {  	v53 =	vld [tilespmem:s20+$0xF280];
	v6 =	vadd.s32 v50, v6  }
0x8f: {  	v54 =	vld [tilespmem:s20+$0xB680];
	v6 =	vadd.s32 v51, v6  }
0x90: {  	v6 =	vadd.s32 v7, v6;
	v7 =	vld [tilespmem:s20+$0xF680]  }
0x91: {  	v6 =	vadd.s32 v52, v6  }
0x92: {  	v6 =	vadd.s32 v8, v6  }
0x93: {  	v6 =	vadd.s32 v53, v6  }
0x94: {  	v6 =	vadd.s32 v54, v6  }
0x95: {  	v6 =	vadd.s32 v7, v6  }
0x96: {  	s19 =	simm.s32 $0xFA80;
	[tilespmem:s20+$0xFA80] =	vst v6  }
0x97: {  	[spmem:s5] =	stream.linear.scatter [tilespmem:s19], [sflag:$0x1], $0x400, $0x38;
	[tilespmem:$0x14B80] =	vst v63  }
0x98: {  	_ =	swait.ge [sflag:s10], $0x400  }
0x99: {  	[sflag:s10] =	ssyncset.done $0x0  }
0x9a: {  	[sflag:s10] =	ssyncadd.s32 $0xFFFFFC00  }
0x9b: {  	[bflag:$0x0] =	sbarrier.arrive $0xFFFF  }
0x9c: {  	s0 =	simm.s32 $0xFE80;
	s1 =	rddreg [dreg:$0x1]  }
0x9d: {  	[tilespmem:s0], [sflag:$0x1] =	stream.linear.gather [spmem:s1], $0x4000, $0x38;
	[tilespmem:$0x14B80] =	vst v63  }
0x9e: {  	_ =	swait.ge [sflag:s10], $0x4000  }
0x9f: {  	s18 =	simm.s32 $0x0;
	[sflag:s10] =	ssyncset.done $0x0  }
0xa0: {  	s30 =	sand.u32 $0x3F0, s18;
	[sflag:s10] =	ssyncadd.s32 $0xFFFFC000  }
0xa1: {  	v6 =	vld [tilespmem:s30+$0x10280]  }
0xa2: {  	v7 =	vld [tilespmem:s0+$0x0]  }
0xa3: {  	v8 =	vld [tilespmem:s30+$0x10680]  }
0xa4: {  	v55 =	vld [tilespmem:s30+$0x10A80]  }
0xa5: {  	v56 =	vld [tilespmem:s30+$0x10E80]  }
0xa6: {  	v57 =	vld [tilespmem:s30+$0x11280]  }
0xa7: {  	v6 =	vadd.s32 v7, v6;
	v7 =	vld [tilespmem:s30+$0x11680]  }
0xa8: {  	v6 =	vadd.s32 v8, v6;
	v8 =	vld [tilespmem:s30+$0x11A80]  }
0xa9: {  	v58 =	vld [tilespmem:s30+$0x11E80];
	v6 =	vadd.s32 v55, v6  }
0xaa: {  	v59 =	vld [tilespmem:s30+$0x12280];
	v6 =	vadd.s32 v56, v6  }
0xab: {  	v60 =	vld [tilespmem:s30+$0x12680];
	v6 =	vadd.s32 v57, v6  }
0xac: {  	v6 =	vadd.s32 v7, v6;
	v7 =	vld [tilespmem:s30+$0x12A80]  }
0xad: {  	v6 =	vadd.s32 v8, v6;
	v8 =	vld [tilespmem:s30+$0x12E80]  }
0xae: {  	v61 =	vld [tilespmem:s30+$0x13280];
	v6 =	vadd.s32 v58, v6  }
0xaf: {  	v62 =	vld [tilespmem:s30+$0x13680];
	v6 =	vadd.s32 v59, v6  }
0xb0: {  	v63 =	vld [tilespmem:s30+$0x13A80];
	v6 =	vadd.s32 v60, v6  }
0xb1: {  	v6 =	vadd.s32 v7, v6  }
0xb2: {  	v6 =	vadd.s32 v8, v6  }
0xb3: {  	v6 =	vadd.s32 v61, v6  }
0xb4: {  	v6 =	vadd.s32 v62, v6  }
0xb5: {  	s31 =	simm.s32 $0x10;
	v6 =	vadd.s32 v63, v6  }
0xb6: {  	s20 =	sand.u32 $0x3F0, s31;
	[tilespmem:s19+$0x0] =	vst v6  }
0xb7: {  	s22 =	simm.s32 $0x20;
	s21 =	simm.s32 $0xFE90;
	v6 =	vld [tilespmem:s20+$0x10280]  }
.LBB2_8:
0xb8: {  	p0 =	sne.s32 s22, $0x3F0;
	v7 =	vld [tilespmem:s21+$0x0]  }
0xb9: {  	v8 =	vld [tilespmem:s20+$0x10680]  }
0xba: {  	v9 =	vld [tilespmem:s20+$0x10A80]  }
0xbb: {  	v10 =	vld [tilespmem:s20+$0x10E80]  }
0xbc: {  	v11 =	vld [tilespmem:s20+$0x11280]  }
0xbd: {  	v6 =	vadd.s32 v7, v6;
	v7 =	vld [tilespmem:s20+$0x11680]  }
0xbe: {  	v6 =	vadd.s32 v8, v6;
	v8 =	vld [tilespmem:s20+$0x11A80]  }
0xbf: {  	v6 =	vadd.s32 v9, v6;
	v9 =	vld [tilespmem:s20+$0x11E80]  }
0xc0: {  	v6 =	vadd.s32 v10, v6;
	v10 =	vld [tilespmem:s20+$0x12280]  }
0xc1: {  	v6 =	vadd.s32 v11, v6;
	v11 =	vld [tilespmem:s20+$0x12680]  }
0xc2: {  	v6 =	vadd.s32 v7, v6;
	v7 =	vld [tilespmem:s20+$0x12A80]  }
0xc3: {  	v6 =	vadd.s32 v8, v6;
	v8 =	vld [tilespmem:s20+$0x12E80]  }
0xc4: {  	v6 =	vadd.s32 v9, v6;
	v9 =	vld [tilespmem:s20+$0x13280]  }
0xc5: {  	v6 =	vadd.s32 v10, v6;
	v10 =	vld [tilespmem:s20+$0x13680]  }
0xc6: {  	v6 =	vadd.s32 v11, v6;
	v11 =	vld [tilespmem:s20+$0x13A80]  }
0xc7: {  	v6 =	vadd.s32 v7, v6  }
0xc8: {  	v6 =	vadd.s32 v8, v6  }
.Ltmp3:
0xc9: {  	v6 =	vadd.s32 v9, v6;
	(pc) =	sbr.rel @p0 .LBB2_8-.Ltmp3, $4  }
0xca: {  	v6 =	vadd.s32 v10, v6  }
0xcb: {  	s19 =	sadd.s32 $0x10, s19;
	v6 =	vadd.s32 v11, v6  }
0xcc: {  	s20 =	sand.u32 $0x3F0, s22;
	[tilespmem:s19+$0x0] =	vst v6  }
0xcd: {  	s21 =	sadd.s32 $0x10, s21;
	s22 =	sadd.s32 $0x10, s22;
	v6 =	vld [tilespmem:s20+$0x10280]  }
0xce: {  	v7 =	vld [tilespmem:s21+$0x0]  }
0xcf: {  	v8 =	vld [tilespmem:s20+$0x10680]  }
0xd0: {  	v9 =	vld [tilespmem:s20+$0x10A80]  }
0xd1: {  	v10 =	vld [tilespmem:s20+$0x10E80]  }
0xd2: {  	v11 =	vld [tilespmem:s20+$0x11280]  }
0xd3: {  	v6 =	vadd.s32 v7, v6;
	v7 =	vld [tilespmem:s20+$0x11680]  }
0xd4: {  	v6 =	vadd.s32 v8, v6;
	v8 =	vld [tilespmem:s20+$0x11A80]  }
0xd5: {  	v58 =	vld [tilespmem:s20+$0x11E80];
	v6 =	vadd.s32 v9, v6  }
0xd6: {  	v59 =	vld [tilespmem:s20+$0x12280];
	v6 =	vadd.s32 v10, v6  }
0xd7: {  	v60 =	vld [tilespmem:s20+$0x12680];
	v6 =	vadd.s32 v11, v6  }
0xd8: {  	v6 =	vadd.s32 v7, v6;
	v7 =	vld [tilespmem:s20+$0x12A80]  }
0xd9: {  	v6 =	vadd.s32 v8, v6;
	v8 =	vld [tilespmem:s20+$0x12E80]  }
0xda: {  	v61 =	vld [tilespmem:s20+$0x13280];
	v6 =	vadd.s32 v58, v6  }
0xdb: {  	v62 =	vld [tilespmem:s20+$0x13680];
	v6 =	vadd.s32 v59, v6  }
0xdc: {  	v63 =	vld [tilespmem:s20+$0x13A80];
	v6 =	vadd.s32 v60, v6  }
0xdd: {  	v6 =	vadd.s32 v7, v6  }
0xde: {  	v6 =	vadd.s32 v8, v6  }
0xdf: {  	v6 =	vadd.s32 v61, v6  }
0xe0: {  	s0 =	sadd.s32 $0x10, s19;
	v6 =	vadd.s32 v62, v6  }
0xe1: {  	s19 =	simm.s32 $0xFFFFFFFF;
	p5 =	por $0x0, $0x0;
	p4 =	por $0x0, $0x0;
	v6 =	vadd.s32 v63, v6  }
.Ltmp4:
0xe2: {  	s29 =	simm.s32 $0x3F0;
	[tilespmem:s0+$0x0] =	vst v6;
	s0 =	simm.s32 @!p4 $0x0;
	(pc) =	sbr.rel @p5 .LBB2_10-.Ltmp4, $4  }
0xe3: {  	s31 =	simm.s32 $0xFE70;
	s0 =	simm.s32 @p4 $0x1;
	p4 =	por $0x0, $0x0  }
0xe4: {  	s23 =	simm.s32 $0x3E0;
	[smem:$0x7FC] =	sst s0;
	s0 =	simm.s32 @!p4 $0x0  }
0xe5: {  	p0 =	por $0x0, $0x0;
	p1 =	por $0x0, $0x0;
	s0 =	simm.s32 @p4 $0x1  }
0xe6: {  	p2 =	por $0x0, $0x0;
	p3 =	por $0x0, $0x0;
	v6 =	vld [tilespmem:s31+$0x0];
	[smem:$0x7FD] =	sst s0  }
0xe7: {  	_ = 	snop  }
0xe8: {  	p5 =	por $0x0, $0x0  }
.Ltmp5:
0xe9: {  	_ = 	snop;
	(pc) =	sbr.rel @p5 .LBB2_12-.Ltmp5, $4  }
0xea: {  	_ = 	snop  }
0xeb: {  	v7 =	vperm.xlane v6, v3  }
0xec: {  	s0 =	simm.s32 $0xFE60;
	(xrf0) =	vadd.scan.msk.s32 $0xffff, v6  }
0xed: {  	s20 =	simm.s32 $0x3D0;
	p0 =	por $0x1, $0x1;
	v6 =	vld [tilespmem:s0+$0x0];
	(xrf0) =	vadd.scan.msk.s32 $0xffff, v7  }
0xee: {  	_ = 	snop  }
0xef: {  	p5 =	por $0x0, $0x0  }
.Ltmp6:
0xf0: {  	_ = 	snop;
	(pc) =	sbr.rel @p5 .LBB2_14-.Ltmp6, $4  }
0xf1: {  	_ = 	snop  }
0xf2: {  	v7 =	vperm.xlane v6, v3;
	v8, _, _ =	vpop (xrf0)  }
0xf3: {  	s0 =	simm.s32 $0xFE50;
	(xrf0) =	vadd.scan.msk.s32 $0xffff, v6;
	v9, _, _ =	vpop (xrf0)  }
0xf4: {  	s22 =	simm.s32 $0x3C0;
	p1 =	por $0x1, $0x1;
	v6 =	vld [tilespmem:s0+$0x0];
	(v2sf) =	vpush v8, $0xF;
	(xrf0) =	vadd.scan.msk.s32 $0xffff, v7;
	v8 =	vperm.xlane v9, v3  }
0xf5: {  	_ = 	snop  }
0xf6: {  	p5 =	por $0x0, $0x0  }
.Ltmp7:
0xf7: {  	_ = 	snop;
	(pc) =	sbr.rel @p5 .LBB2_16-.Ltmp7, $4  }
0xf8: {  	_ = 	snop  }
0xf9: {  	v7 =	vperm.xlane v6, v3;
	v9, _, _ =	vpop (xrf0)  }
0xfa: {  	s0 =	simm.s32 $0xFE40;
	(xrf0) =	vadd.scan.msk.s32 $0xffff, v6;
	v10, _, _ =	vpop (xrf0)  }
0xfb: {  	s24 =	simm.s32 $0x3B0;
	p2 =	por $0x1, $0x1;
	v6 =	vld [tilespmem:s0+$0x0];
	(v2sf) =	vpush v9, $0xF;
	(xrf0) =	vadd.scan.msk.s32 $0xffff, v7;
	v7 =	vperm.xlane v10, v3  }
0xfc: {  	_ =	sdelay $0x1  }
0xfd: {  	p5 =	por $0x0, $0x0  }
.Ltmp8:
0xfe: {  	v8 =	vadd.s32 s18, v8;
	(pc) =	sbr.rel @p5 .LBB2_18-.Ltmp8, $4  }
0xff: {  	v9 =	vperm.xlane v6, v3  }
0x100: {  	vm1 =	vgt.s32 v8, $0x1387;
	(xrf0) =	vadd.scan.msk.s32 $0xffff, v6;
	v10, _, _ =	vpop (xrf0);
	v6 =	vor.u32 s29, v4  }
0x101: {  	s0 =	simm.s32 $0xFE30;
	v8, _, _ =	vpop (xrf0);
	(xrf0) =	vadd.scan.msk.s32 $0xffff, v9;
	v9 =	vnsel vm1, $0x7FFFFFFF, v6  }
0x102: {  	s25 =	simm.s32 $0x3A0;
	p3 =	por $0x1, $0x1;
	(v2sf) =	vpush v10, $0xF;
	v6 =	vld [tilespmem:s0+$0x0];
	v8 =	vperm.xlane v8, v3;
	(xrf0) =	vmax.scan.msk.u32 $0xffff, v9  }
0x103: {  	_ = 	snop  }
0x104: {  	s0 =	spop (v2sf)  }
0x105: {  	p5 =	por $0x0, $0x0;
	s21 =	sadd.s32 $0x0, s0  }
.Ltmp9:
0x106: {  	v7 =	vadd.s32 s21, v7;
	(pc) =	sbr.rel @p5 .LBB2_20-.Ltmp9, $4  }
0x107: {  	p4 =	por $0x1, $0x1;
	v9 =	vperm.xlane v6, v3  }
0x108: {  	s0 =	simm.s32 @!p4 $0x0;
	v10, _, _ =	vpop (xrf0);
	vm1 =	vgt.s32 v7, $0x1387;
	(xrf0) =	vadd.scan.msk.s32 $0xffff, v6;
	v6 =	vor.u32 s23, v4  }
0x109: {  	s31 =	simm.s32 $0xFE20;
	s0 =	simm.s32 @p4 $0x1;
	v7, _, _ =	vpop (xrf0);
	v11 =	vnsel vm1, $0x7FFFFFFF, v6;
	(xrf0) =	vadd.scan.msk.s32 $0xffff, v9  }
0x10a: {  	s26 =	simm.s32 $0x390;
	[smem:$0x7FC] =	sst s0;
	(v2sf) =	vpush v10, $0xF;
	v6 =	vld [tilespmem:s31+$0x0];
	v9 =	vperm.xlane v7, v3;
	v7, _, _ =	vpop (xrf0);
	(xrf0) =	vmax.scan.msk.u32 $0xffff, v11  }
0x10b: {  	_ =	sdelay $0x2  }
0x10c: {  	(v2sf) =	vpush v7, $0xF;
	v11, _, _ =	vpop (xrf0)  }
0x10d: {  	(v2sf) =	vpush v11, $0xF;
	_ =	sdelay $0x5  }
0x10e: {  	s0 =	spop (v2sf)  }
0x10f: {  	s21 =	sadd.s32 s21, s0  }
0x110: {  	p5 =	por $0x0, $0x0;
	v8 =	vadd.s32 s21, v8;
	v10 =	vperm.xlane v6, v3  }
.Ltmp10:
0x111: {  	vm1 =	vgt.s32 v8, $0x1387;
	(xrf0) =	vadd.scan.msk.s32 $0xffff, v6;
	v6 =	vor.u32 s20, v4;
	(pc) =	sbr.rel @p5 .LBB2_22-.Ltmp10, $3  }
0x112: {  	(xrf0) =	vadd.scan.msk.s32 $0xffff, v10;
	v10 =	vnsel vm1, $0x7FFFFFFF, v6;
	_ =	sdelay $0x1  }
0x113: {  	s30 =	simm.s32 $0xFE10;
	v8, _, _ =	vpop (xrf0)  }
0x114: {  	s31 =	simm.s32 $0x380;
	v6 =	vld [tilespmem:s30+$0x0];
	v11 =	vperm.xlane v8, v3;
	(xrf0) =	vmax.scan.msk.u32 $0xffff, v10;
	v10, _, _ =	vpop (xrf0)  }
0x115: {  	s0 =	spop (v2sf);
	(v2sf) =	vpush v10, $0xF  }
0x116: {  	v13, _, _ =	vpop (xrf0)  }
0x117: {  	(v2sf) =	vpush v13, $0xF;
	_ =	sdelay $0x1  }
0x118: {  	p5 =	por $0x0, $0x0;
	v8 =	vperm.xlane v6, v3  }
.Ltmp11:
0x119: {  	s21 =	sadd.s32 s21, s0;
	(pc) =	sbr.rel @p5 .LBB2_24-.Ltmp11, $4  }
0x11a: {  	p4 =	por $0x1, $0x1;
	v12 =	vadd.s32 s21, v9  }
0x11b: {  	s0 =	simm.s32 @!p4 $0x0;
	vm1 =	vgt.s32 v12, $0x1387;
	(xrf0) =	vadd.scan.msk.s32 $0xffff, v6;
	v6 =	vor.u32 s22, v4  }
0x11c: {  	s30 =	simm.s32 $0xFE00;
	s0 =	simm.s32 @p4 $0x1;
	v12 =	vnsel vm1, $0x7FFFFFFF, v6;
	(xrf0) =	vadd.scan.msk.s32 $0xffff, v8;
	v8, _, _ =	vpop (xrf0)  }
0x11d: {  	s20 =	simm.s32 $0x370;
	[smem:$0x7FD] =	sst s0;
	v6 =	vld [tilespmem:s30+$0x0];
	(xrf0) =	vmax.scan.msk.u32 $0xffff, v12;
	v14 =	vperm.xlane v8, v3;
	v13, _, _ =	vpop (xrf0)  }
0x11e: {  	(v2sf) =	vpush v13, $0xF;
	_ =	sdelay $0x3  }
0x11f: {  	v15, _, _ =	vpop (xrf0)  }
0x120: {  	s0 =	spop (v2sf);
	(v2sf) =	vpush v15, $0xF  }
0x121: {  	s21 =	sadd.s32 s21, s0  }
0x122: {  	p6 =	por $0x0, $0x0;
	v12 =	vadd.s32 s21, v11;
	v8 =	vperm.xlane v6, v3  }
.Ltmp12:
0x123: {  	vm1 =	vgt.s32 v12, $0x1387;
	(xrf0) =	vadd.scan.msk.s32 $0xffff, v6;
	v6 =	vor.u32 s24, v4;
	(pc) =	sbr.rel @p6 .LBB2_26-.Ltmp12, $4  }
0x124: {  	s29 =	simm.s32 $0xFDF0;
	p4 =	por $0x1, $0x1;
	v12 =	vnsel vm1, $0x7FFFFFFF, v6  }
0x125: {  	s30 =	simm.s32 $0xFFFFFFFF;
	s23 =	spop (v2sf);
	s2 =	simm.s32 @!p4 $0x0  }
0x126: {  	s0 =	simm.s32 $0x360;
	s1 =	sxor.u32 $0x80000000, s23;
	s2 =	simm.s32 @p4 $0x1;
	(xrf0) =	vadd.scan.msk.s32 $0xffff, v8;
	v8, _, _ =	vpop (xrf0)  }
0x127: {  	s23 =	simm.s32 $0x3A0;
	p5 =	slt.s32 s1, $0xFFFFFFFF;
	[smem:$0x7FA] =	sst s2;
	v6 =	vld [tilespmem:s29+$0x0];
	(xrf0) =	vmax.scan.msk.u32 $0xffff, v12;
	v12 =	vmov v14;
	v8 =	vperm.xlane v8, v3;
	v15, _, _ =	vpop (xrf0)  }
.LBB2_27:
0x128: {  	s28 =	smov.u32 s30  }
0x129: {  	s30 =	smov.u32 s1;
	s15 =	sadd.s32 $0xFFFFFFF0, s0;
	p6 =	seq.s32 s0, $0x0  }
0x12a: {  	s2 =	spop (v2sf);
	(v2sf) =	vpush v15, $0xF;
	s30 =	smov.u32 @p5 s28;
	s28 =	smov.u32 s0  }
.Ltmp13:
0x12b: {  	s21 =	sadd.s32 s21, s2;
	(pc) =	sbr.rel @!p6 .LBB2_27-.Ltmp13, $4  }
0x12c: {  	s29 =	sadd.s32 $0xFFFFFFF0, s29;
	v18 =	vperm.xlane v6, v3;
	(xrf0) =	vadd.scan.msk.s32 $0xffff, v6;
	v16, _, _ =	vpop (xrf0);
	v17 =	vadd.s32 s21, v12;
	v12 =	vmov v8  }
0x12d: {  	v8 =	vor.u32 s23, v4;
	s23 =	smov.u32 s26;
	s26 =	smov.u32 s31;
	v6 =	vld [tilespmem:s29+$0x0];
	(v2sf) =	vpush v16, $0xF;
	vm1 =	vgt.s32 v17, $0x1387;
	s0 =	spop (v2sf)  }
0x12e: {  	s31 =	smov.u32 s20;
	s20 =	smov.u32 s28;
	(xrf0) =	vadd.scan.msk.s32 $0xffff, v18;
	v15, _, _ =	vpop (xrf0);
	v16 =	vnsel vm1, $0x7FFFFFFF, v8;
	s1 =	sxor.u32 $0x80000000, s0  }
0x12f: {  	s0 =	smov.u32 s15;
	v8 =	vperm.xlane v15, v3;
	(xrf0) =	vmax.scan.msk.u32 $0xffff, v16;
	v15, _, _ =	vpop (xrf0);
	p5 =	sgt.s32 s30, s1  }
0x130: {  	p4 =	por $0x1, $0x1  }
0x131: {  	s0 =	simm.s32 @!p4 $0x0  }
0x132: {  	s0 =	simm.s32 @p4 $0x1  }
0x133: {  	s29 =	smov.u32 s26;
	s26 =	smov.u32 s31;
	[smem:$0x7FB] =	sst s0  }
.LBB2_29:
0x134: {  	s2 =	sld [smem:$0x7FC];
	_ =	sdelay $0x2  }
0x135: {  	p4 =	seq.s32 s2, $0x1  }
0x136: {  	s0 =	spop @p3 (v2sf);
	s2 =	simm.s32 @!p4 $0x0  }
0x137: {  	s0 =	sadd.s32 @p3 s21, s0;
	s21 =	sld [smem:$0x7FD];
	s2 =	simm.s32 @p4 $0x1  }
0x138: {  	(v2sf) =	vpush @p4 v15, $0xF;
	v15, _, _ =	vpop @p0 (xrf0);
	[smem:$0x7FC] =	sst s2;
	s2 =	simm.s32 $0x0  }
0x139: {  	(v2sf) =	vpush @p0 v15, $0xF;
	s2 =	smov.u32 @p3 s0  }
0x13a: {  	v60 =	vperm.xlane v6, v3;
	(xrf0) =	vadd.scan.msk.s32 $0xffff, v6;
	v6 =	vor.u32 @p2 s23, v4;
	s23 =	sld [smem:$0x7FA];
	v12 =	vadd.s32 @p2 s2, v12  }
0x13b: {  	p4 =	seq.s32 s21, $0x1;
	vm1 =	vgt.s32 @p2 v12, $0x1387  }
0x13c: {  	s28 =	sld [smem:$0x7FB];
	s21 =	smov.u32 @p1 s29;
	s0 =	spop @p4 (v2sf);
	v6 =	vnsel @p2 vm1, $0x7FFFFFFF, v6  }
0x13d: {  	s24 =	smov.u32 @p1 s21;
	p6 =	seq.s32 s23, $0x1;
	s15 =	spop @p2 (v2sf)  }
0x13e: {  	(xrf0) =	vadd.scan.msk.s32 $0xffff, v60;
	p5 =	por !p5, !p6;
	s2 =	sadd.s32 @p2 s2, s15;
	s15 =	simm.s32 $0x0;
	v12, _, _ =	vpop @p0 (xrf0)  }
0x13f: {  	v8 =	vpsel p1, v8, v11;
	s30 =	smov.u32 @p5 s1;
	s1 =	simm.s32 $0xFFFFFFFF;
	s15 =	smov.u32 @p2 s2;
	(xrf0) =	vmax.scan.msk.u32 @p2 $0xffff, v6;
	v6, _, _ =	vpop @p3 (xrf0)  }
0x140: {  	s29 =	sld [smem:$0x7FC];
	s1 =	smov.u32 @p6 s30;
	p6 =	seq.s32 s28, $0x1;
	v8 =	vadd.s32 @p1 s15, v8;
	v6 =	vpsel p3, v6, v13  }
0x141: {  	s0 =	sxor.u32 @p4 $0x80000000, s0;
	s2 =	smov.u32 @p0 s26;
	s21 =	spop @p6 (v2sf);
	vm1 =	vgt.s32 @p1 v8, $0x1387;
	(v2sf) =	vpush @p3 v6, $0xF;
	v6 =	vor.u32 @p1 s24, v4  }
0x142: {  	s25 =	smov.u32 @p0 s2;
	p5 =	sgt.s32 @p4 s1, s0;
	s0 =	smov.u32 @p4 s0;
	v11 =	vperm.xlane @p0 v12, v3;
	v6 =	vnsel @p1 vm1, $0x7FFFFFFF, v6  }
0x143: {  	s2 =	spop @p1 (v2sf);
	p5 =	por @!p4 p0, p0;
	s23 =	smov.u32 @p0 s25;
	v62, _, _ =	vpop (xrf0)  }
0x144: {  	s2 =	sadd.s32 @p1 s15, s2;
	s15 =	simm.s32 $0x0;
	p5 =	por !p5, !p4;
	v61 =	vpsel p0, v11, v14;
	v63, _, _ =	vpop (xrf0)  }
0x145: {  	s15 =	smov.u32 @p1 s2;
	s1 =	smov.u32 @p5 s0;
	s0 =	simm.s32 $0xFFFFFFFF;
	v8 =	vpsel p0, v61, v9;
	(xrf0) =	vmax.scan.msk.u32 @p1 $0xffff, v6;
	v6, _, _ =	vpop @p2 (xrf0)  }
0x146: {  	s22 =	smov.u32 @p0 s23;
	s0 =	smov.u32 @p4 s1;
	p4 =	seq.s32 s29, $0x1;
	(v2sf) =	vpush v62, $0xF;
	v8 =	vadd.s32 @p0 s15, v8;
	v6 =	vpsel p2, v6, v10  }
0x147: {  	vm1 =	vgt.s32 @p0 v8, $0x1387;
	s1 =	spop @p4 (v2sf);
	(v2sf) =	vpush @p2 v6, $0xF;
	v6 =	vor.u32 @p0 s22, v4  }
0x148: {  	s2 =	sxor.u32 @p6 $0x80000000, s21;
	s21 =	spop @p0 (v2sf);
	v6 =	vnsel @p0 vm1, $0x7FFFFFFF, v6  }
0x149: {  	s15 =	sadd.s32 @p0 s15, s21;
	(xrf0) =	vmax.scan.msk.u32 @p0 $0xffff, v6;
	v6 =	vperm.xlane v63, v3  }
0x14a: {  	p5 =	sgt.s32 @p6 s0, s2;
	s18 =	smov.u32 @p0 s15  }
0x14b: {  	p5 =	por @!p6 p0, p0;
	v8, _, _ =	vpop @p1 (xrf0);
	v6 =	vadd.s32 s18, v6  }
0x14c: {  	s2 =	smov.u32 @p6 s2;
	p5 =	por !p5, !p6;
	v7 =	vpsel p1, v8, v7;
	vm1 =	vgt.s32 v6, $0x1387;
	v6 =	vor.u32 s20, v4  }
0x14d: {  	s0 =	smov.u32 @p5 s2;
	s2 =	simm.s32 $0xFFFFFFFF;
	(v2sf) =	vpush @p1 v7, $0xF;
	v6 =	vnsel vm1, $0x7FFFFFFF, v6  }
0x14e: {  	s1 =	sxor.u32 @p4 $0x80000000, s1;
	s2 =	smov.u32 @p6 s0  }
0x14f: {  	p5 =	sgt.s32 @p4 s2, s1  }
0x150: {  	p5 =	por @!p4 p0, p0;
	(xrf0) =	vmax.scan.msk.u32 $0xffff, v6;
	v6, _, _ =	vpop @p0 (xrf0)  }
0x151: {  	s0 =	smov.u32 @p4 s1;
	p5 =	por !p5, !p4;
	v6 =	vpsel p0, v6, v0  }
0x152: {  	s1 =	simm.s32 $0xFFFFFFFF;
	s2 =	smov.u32 @p5 s0;
	s0 =	spop @p3 (v2sf);
	(v2sf) =	vpush @p0 v6, $0xF  }
0x153: {  	s1 =	smov.u32 @p4 s2;
	s0 =	sxor.u32 @p3 $0x80000000, s0  }
0x154: {  	p4 =	sgt.s32 @p3 s1, s0  }
0x155: {  	p4 =	por @!p3 p0, p0  }
0x156: {  	s30 =	spop (v2sf);
	s0 =	smov.u32 @p3 s0;
	p4 =	por !p4, !p3;
	v6, _, _ =	vpop (xrf0)  }
0x157: {  	s2 =	simm.s32 $0xFFFFFFFF;
	s1 =	smov.u32 @p4 s0;
	(v2sf) =	vpush v6, $0xF;
	s0 =	spop @p2 (v2sf)  }
0x158: {  	s2 =	smov.u32 @p3 s1;
	s0 =	sxor.u32 @p2 $0x80000000, s0  }
0x159: {  	p3 =	sgt.s32 @p2 s2, s0  }
0x15a: {  	p3 =	por @!p2 p0, p0  }
0x15b: {  	s0 =	smov.u32 @p2 s0;
	p3 =	por !p3, !p2  }
0x15c: {  	s1 =	simm.s32 $0xFFFFFFFF;
	s2 =	smov.u32 @p3 s0;
	s0 =	spop @p1 (v2sf)  }
0x15d: {  	s0 =	sxor.u32 @p1 $0x80000000, s0;
	s1 =	smov.u32 @p2 s2  }
0x15e: {  	p2 =	sgt.s32 @p1 s1, s0  }
0x15f: {  	p2 =	por @!p1 p0, p0  }
0x160: {  	s0 =	smov.u32 @p1 s0;
	p2 =	por !p2, !p1  }
0x161: {  	s2 =	simm.s32 $0xFFFFFFFF;
	s1 =	smov.u32 @p2 s0;
	s0 =	spop @p0 (v2sf)  }
0x162: {  	s2 =	smov.u32 @p1 s1;
	s0 =	sxor.u32 @p0 $0x80000000, s0  }
0x163: {  	p1 =	sgt.s32 @p0 s2, s0  }
0x164: {  	p1 =	por @!p0 p0, p0  }
0x165: {  	s0 =	smov.u32 @p0 s0;
	p1 =	por !p1, !p0  }
0x166: {  	s31 =	spop (v2sf);
	s2 =	smov.u32 @p1 s0  }
0x167: {  	s0 =	sxor.u32 $0x80000000, s31;
	s19 =	smov.u32 @p0 s2  }
0x168: {  	p0 =	sgt.s32 s19, s0  }
0x169: {  	s18 =	simm.s32 $0x40;
	s0 =	smov.u32 @p0 s19;
	s19 =	simm.s32 $0x0  }
.LBB2_30:
0x16a: {  	p0 =	seq.s32 s18, $0x1000;
	[tilespmem:s19+$0x13E80] =	vst v5;
	s1 =	smov.u32 s18;
	s18 =	sadd.s32 $0x40, s18  }
.Ltmp14:
0x16b: {  	[tilespmem:s19+$0x14300] =	vst v1;
	(pc) =	sbr.rel @!p0 .LBB2_30-.Ltmp14, $2  }
0x16c: {  	_ =	sdelay $0x2  }
0x16d: {  	s19 =	sshra.s32 s1, $0x2  }
0x16e: {  	[tilespmem:s19+$0x13E80] =	vst v5  }
0x16f: {  	[tilespmem:s19+$0x14300] =	vst v1;
	s30 =	simm.s32 $0x0  }
0x170: {  	v7 =	vld [tilespmem:s30+$0x0];
	_ =	sdelay $0x4  }
0x171: {  	v8 =	vmul.f32 $1.024000000e+03, v7;
	_ =	sdelay $0x1  }
0x172: {  	v8 =	vtrunc.f32 v8  }
0x173: {  	v8 =	vcvt.f32.s32 v8  }
0x174: {  	p0 =	sgt.s32 s0, $0x0  }
0x175: {  	s0 =	simm.s32 @!p0 $0x0;
	vm1 =	vlt.s32 v8, $0x3FF  }
0x176: {  	v9 =	vmov s9;
	v6 =	vmov s0;
	v8 =	vnsel vm1, $0x3FF, v8  }
0x177: {  	vm3 =	vmmov vm0;
	vm2 =	vlt.u32 v9, $0xF4240;
	p0 =	por $0x1, $0x1;
	vm1 =	vge.s32 v8, v6  }
0x178: {  	vm3 =	vmneg @p0 vm3;
	vm1 =	vmand vm2, vm1  }
0x179: {  	vm1 =	vmand vm3, vm1  }
0x17a: {  	v8 =	vmpcnt.ones.xlane vm1;
	_ =	sdelay $0x1  }
0x17b: {  	(v2sf) =	vpush v8, $0x0;
	_ =	sdelay $0x1  }
0x17c: {  	s18 =	simm.s32 $0x0  }
0x17d: {  	[tilespmem:s18+$0x13E80] =	vst.msk vm1, v7;
	v8 =	vor.u32 s9, v0  }
0x17e: {  	s31 =	simm.s32 $0x10;
	[tilespmem:s18+$0x14300] =	vst.msk vm1, v8  }
0x17f: {  	v7 =	vld [tilespmem:s31+$0x0];
	_ =	sdelay $0x4  }
0x180: {  	v8 =	vmul.f32 $1.024000000e+03, v7;
	_ =	sdelay $0x1  }
0x181: {  	v8 =	vtrunc.f32 v8  }
0x182: {  	v8 =	vcvt.f32.s32 v8;
	_ =	sdelay $0x1  }
0x183: {  	s20 =	simm.s32 $0x80;
	s19 =	sadd.s32 $0x10, s9;
	vm1 =	vlt.s32 v8, $0x3FF;
	s0 =	spop (v2sf)  }
.LBB2_32:
0x184: {  	p0 =	sne.s32 s20, $0x1E840;
	v8 =	vnsel vm1, $0x3FF, v8;
	v9 =	vmov s19  }
0x185: {  	s18 =	sadd.s32 s18, s0;
	s0 =	smov.u32 s20;
	s20 =	sadd.s32 $0x40, s20;
	vm1 =	vge.s32 v8, v6;
	vm2 =	vlt.u32 v9, $0xF4240  }
0x186: {  	p1 =	slt.s32 s18, $0x3F1;
	vm1 =	vmand vm2, vm1;
	vm2 =	vmmov vm0  }
0x187: {  	vm2 =	vmneg @p1 vm2  }
0x188: {  	vm1 =	vmand vm2, vm1  }
0x189: {  	v8 =	vor.u32 s19, v0;
	v9 =	vmpcnt.ones.xlane vm1;
	[tilespmem:s18+$0x13E80] =	vst.msk vm1, v7  }
0x18a: {  	[tilespmem:s18+$0x14300] =	vst.msk vm1, v8  }
0x18b: {  	(v2sf) =	vpush v9, $0x0;
	_ =	sdelay $0x3  }
0x18c: {  	s0 =	sshra.s32 s0, $0x2  }
0x18d: {  	v7 =	vld [tilespmem:s0+$0x0];
	_ =	sdelay $0x4  }
0x18e: {  	v8 =	vmul.f32 $1.024000000e+03, v7  }
.Ltmp15:
0x18f: {  	(pc) =	sbr.rel @p0 .LBB2_32-.Ltmp15, $3  }
0x190: {  	v8 =	vtrunc.f32 v8  }
0x191: {  	v8 =	vcvt.f32.s32 v8;
	_ =	sdelay $0x1  }
0x192: {  	s19 =	sadd.s32 $0x10, s19;
	vm1 =	vlt.s32 v8, $0x3FF;
	s0 =	spop (v2sf)  }
0x193: {  	v8 =	vnsel vm1, $0x3FF, v8;
	v9 =	vmov s19;
	s0 =	sadd.s32 s18, s0  }
0x194: {  	vm3 =	vmmov vm0;
	vm1 =	vge.s32 v8, v6;
	vm2 =	vlt.u32 v9, $0xF4240;
	p0 =	slt.s32 s0, $0x3F1  }
0x195: {  	vm1 =	vmand vm2, vm1;
	vm3 =	vmneg @p0 vm3  }
0x196: {  	vm1 =	vmand vm3, vm1  }
0x197: {  	v6 =	vmpcnt.ones.xlane vm1;
	_ =	sdelay $0x1  }
0x198: {  	(v2sf) =	vpush v6, $0x0;
	_ =	sdelay $0xb  }
0x199: {  	[tilespmem:s0+$0x13E80] =	vst.msk vm1, v7;
	v6 =	vor.u32 s19, v0  }
0x19a: {  	[tilespmem:s0+$0x14300] =	vst.msk vm1, v6;
	s0 =	simm.s32 $0x13E80  }
0x19b: {  	[hbm4b:s6+s13] =	stream.strided.scatter [tilespmem:s0], [sflag:$0x1], $0x400, s14, s13, $0x38;
	[tilespmem:$0x14B80] =	vst v63  }
0x19c: {  	s31 =	spop (v2sf)  }
0x19d: {  	_ =	swait.ge [sflag:s10], $0x400  }
0x19e: {  	s17 =	sadd.s32 $0x1, s17;
	[sflag:s10] =	ssyncset.done $0x0  }
0x19f: {  	p0 =	sne.s32 s17, s8;
	[sflag:s10] =	ssyncadd.s32 $0xFFFFFC00  }
0x1a0: {  	[hbm4b:s7+s13] =	stream.strided.scatter [tilespmem:s16], [sflag:$0x1], $0x400, s14, s13, $0x38;
	[tilespmem:$0x14B80] =	vst v63  }
.Ltmp16:
0x1a1: {  	_ = 	snop;
	(pc) =	sbr.rel @p0 .LBB2_1-.Ltmp16, $4  }
.Ltmp17:
0x1a2: {  	_ = 	snop;
	(pc) =	sbr.rel @!p0 .LBB2_34-.Ltmp17, $4  }
0x1a3: {  	_ =	swait.ge [sflag:s10], $0x400  }
0x1a4: {  	[sflag:s10] =	ssyncset.done $0x0  }
0x1a5: {  	[sflag:s10] =	ssyncadd.s32 $0xFFFFFC00  }
0x1a6: {  	_ = 	snop  }
.LBB2_10:
0x1a7: {  	p4 =	por $0x0, $0x0  }
.Ltmp18:
0x1a8: {  	s0 =	simm.s32 @!p4 $0x0;
	(pc) =	sbr.rel .LBB2_29-.Ltmp18, $4  }
0x1a9: {  	s0 =	simm.s32 @p4 $0x1;
	p4 =	por $0x0, $0x0  }
0x1aa: {  	[smem:$0x7FA] =	sst s0;
	s0 =	simm.s32 @!p4 $0x0  }
0x1ab: {  	s30 =	simm.s32 $0xFFFFFFFF;
	s0 =	simm.s32 @p4 $0x1  }
0x1ac: {  	s21 =	simm.s32 $0x0;
	s20 =	simm.s32 $0x3F0;
	[smem:$0x7FB] =	sst s0  }
.LBB2_12:
0x1ad: {  	p4 =	por $0x0, $0x0  }
.Ltmp19:
0x1ae: {  	s0 =	simm.s32 @!p4 $0x0;
	(pc) =	sbr.rel .LBB2_29-.Ltmp19, $4  }
0x1af: {  	s0 =	simm.s32 @p4 $0x1;
	p4 =	por $0x0, $0x0  }
0x1b0: {  	[smem:$0x7FA] =	sst s0;
	s0 =	simm.s32 @!p4 $0x0  }
0x1b1: {  	s30 =	simm.s32 $0xFFFFFFFF;
	s21 =	simm.s32 $0x0;
	s0 =	simm.s32 @p4 $0x1  }
0x1b2: {  	s26 =	simm.s32 $0x3F0;
	s20 =	simm.s32 $0x3E0;
	[smem:$0x7FB] =	sst s0  }
.LBB2_14:
0x1b3: {  	p4 =	por $0x0, $0x0  }
.Ltmp20:
0x1b4: {  	s0 =	simm.s32 @!p4 $0x0;
	(pc) =	sbr.rel .LBB2_29-.Ltmp20, $4  }
0x1b5: {  	s0 =	simm.s32 @p4 $0x1;
	p4 =	por $0x0, $0x0  }
0x1b6: {  	[smem:$0x7FA] =	sst s0;
	s0 =	simm.s32 @!p4 $0x0  }
0x1b7: {  	s30 =	simm.s32 $0xFFFFFFFF;
	s0 =	simm.s32 @p4 $0x1  }
0x1b8: {  	s21 =	simm.s32 $0x0;
	s26 =	simm.s32 $0x3E0;
	[smem:$0x7FB] =	sst s0  }
.LBB2_16:
0x1b9: {  	p4 =	por $0x0, $0x0  }
.Ltmp21:
0x1ba: {  	s0 =	simm.s32 @!p4 $0x0;
	(pc) =	sbr.rel .LBB2_29-.Ltmp21, $4  }
0x1bb: {  	s30 =	simm.s32 $0xFFFFFFFF;
	s0 =	simm.s32 @p4 $0x1;
	p4 =	por $0x0, $0x0  }
0x1bc: {  	s21 =	simm.s32 $0x0;
	[smem:$0x7FA] =	sst s0;
	s0 =	simm.s32 @!p4 $0x0  }
0x1bd: {  	s23 =	simm.s32 $0x3F0;
	s29 =	simm.s32 $0x3E0;
	s0 =	simm.s32 @p4 $0x1  }
0x1be: {  	v12 =	vmov v8;
	s26 =	simm.s32 $0x3D0;
	s20 =	simm.s32 $0x3C0;
	v8 =	vmov v7;
	[smem:$0x7FB] =	sst s0  }
.LBB2_18:
0x1bf: {  	p4 =	por $0x0, $0x0  }
.Ltmp22:
0x1c0: {  	s0 =	simm.s32 @!p4 $0x0;
	(pc) =	sbr.rel .LBB2_29-.Ltmp22, $4  }
0x1c1: {  	s0 =	simm.s32 @p4 $0x1;
	p4 =	por $0x0, $0x0  }
0x1c2: {  	s30 =	simm.s32 $0xFFFFFFFF;
	[smem:$0x7FA] =	sst s0;
	s0 =	simm.s32 @!p4 $0x0  }
0x1c3: {  	s21 =	simm.s32 $0x0;
	s29 =	simm.s32 $0x3D0;
	s0 =	simm.s32 @p4 $0x1  }
0x1c4: {  	v12 =	vmov v7;
	s26 =	simm.s32 $0x3C0;
	s20 =	simm.s32 $0x3B0;
	[smem:$0x7FB] =	sst s0  }
.LBB2_20:
0x1c5: {  	p4 =	por $0x0, $0x0  }
.Ltmp23:
0x1c6: {  	s0 =	simm.s32 @!p4 $0x0;
	(pc) =	sbr.rel .LBB2_29-.Ltmp23, $4  }
0x1c7: {  	s0 =	simm.s32 @p4 $0x1;
	p4 =	por $0x0, $0x0  }
0x1c8: {  	s30 =	simm.s32 $0xFFFFFFFF;
	[smem:$0x7FA] =	sst s0;
	s0 =	simm.s32 @!p4 $0x0  }
0x1c9: {  	s23 =	simm.s32 $0x3D0;
	s29 =	simm.s32 $0x3C0;
	s0 =	simm.s32 @p4 $0x1  }
0x1ca: {  	v12 =	vmov v8;
	v15 =	vmov v7;
	s26 =	simm.s32 $0x3B0;
	s20 =	simm.s32 $0x3A0;
	v8 =	vmov v9;
	[smem:$0x7FB] =	sst s0  }
0x1cb: {  	_ = 	snop  }
.LBB2_22:
0x1cc: {  	p4 =	por $0x0, $0x0  }
.Ltmp24:
0x1cd: {  	s0 =	simm.s32 @!p4 $0x0;
	(pc) =	sbr.rel .LBB2_29-.Ltmp24, $4  }
0x1ce: {  	s0 =	simm.s32 @p4 $0x1;
	p4 =	por $0x1, $0x1  }
0x1cf: {  	s30 =	simm.s32 $0xFFFFFFFF;
	[smem:$0x7FA] =	sst s0;
	s0 =	simm.s32 @!p4 $0x0  }
0x1d0: {  	s23 =	simm.s32 $0x3C0;
	s29 =	simm.s32 $0x3B0;
	s0 =	simm.s32 @p4 $0x1  }
0x1d1: {  	v15 =	vmov v10;
	v12 =	vmov v9;
	s26 =	simm.s32 $0x3A0;
	s20 =	simm.s32 $0x390;
	v8 =	vmov v11;
	[smem:$0x7FB] =	sst s0  }
.LBB2_24:
0x1d2: {  	p4 =	por $0x0, $0x0  }
.Ltmp25:
0x1d3: {  	s0 =	simm.s32 @!p4 $0x0;
	(pc) =	sbr.rel .LBB2_29-.Ltmp25, $4  }
0x1d4: {  	s0 =	simm.s32 @p4 $0x1;
	p4 =	por $0x1, $0x1  }
0x1d5: {  	[smem:$0x7FA] =	sst s0;
	s0 =	simm.s32 @!p4 $0x0  }
0x1d6: {  	s30 =	simm.s32 $0xFFFFFFFF;
	s23 =	simm.s32 $0x3B0;
	s0 =	simm.s32 @p4 $0x1  }
0x1d7: {  	v15 =	vmov v13;
	v12 =	vmov v11;
	s29 =	simm.s32 $0x3A0;
	s20 =	simm.s32 $0x380;
	v8 =	vmov v14;
	[smem:$0x7FB] =	sst s0  }
0x1d8: {  	_ = 	snop  }
.LBB2_26:
.Ltmp26:
0x1d9: {  	(pc) =	sbr.rel .LBB2_29-.Ltmp26, $4  }
0x1da: {  	p4 =	por $0x1, $0x1  }
0x1db: {  	s0 =	simm.s32 @!p4 $0x0  }
0x1dc: {  	s30 =	simm.s32 $0xFFFFFFFF;
	s23 =	simm.s32 $0x3A0;
	s0 =	simm.s32 @p4 $0x1  }
0x1dd: {  	v12 =	vmov v14;
	s29 =	simm.s32 $0x390;
	s26 =	simm.s32 $0x380;
	[smem:$0x7FB] =	sst s0  }
.LBB2_34:
0x1de: {  	_ =	sfence.sel $0x180000  }
0x1df: {  	[bflag:$0x0] =	sbarrier.arrive $0xFFFF  }
0x1e0: {  	_ =	strace $0x90000047  }
0x1e1: {  	s0 =	stileid.u32;
	[bflag:$0x2] =	sbarrier.arrive $0xFFFF  }
0x1e2: {  	p0 =	sne.s32 s0, $0x0;
	s0 =	rddreg [dreg:$0x2]  }
0x1e3: {  	s0 =	sadd.s32 @!p0 $0x100000, s0  }
0x1e4: {  	[sflag:s0] =	ssyncadd.tile.s32 @!p0 $0x1;
	_ =	shalt  }
.Lfunc_end2:
_tile_overlayer_lowered:
.L_overlay_start_2:
0x1e5: {  	(tag) =	ssettag $0x2  }
0x1e6: {  	s0 =	rddreg [dreg:$0x0];
	s2 =	stileid.u32  }
0x1e7: {  	s1 =	rddreg [dreg:$0x1];
	p0 =	sne.s32 s2, $0x0  }
0x1e8: {  	s3 =	rddreg [dreg:$0x2];
	[bflag:$0x3] =	sbarrier.arrive $0xFFFF;
	s2 =	simm.s32 @!p0 $0x1C01  }
0x1e9: {  	[timem:s3], [sflag:s2] =	dma.local @!p0 [hbm:s0], s1  }
0x1ea: {  	s0 =	simm.s32 @!p0 $0x1  }
0x1eb: {  	_ =	swait.ge @!p0 [sflag:s0], s1  }
0x1ec: {  	s1 =	ssub.s32 @!p0 $0x0, s1;
	[sflag:s0] =	ssyncset.done @!p0 $0x0  }
0x1ed: {  	[sflag:s0] =	ssyncadd.s32 @!p0 s1  }
0x1ee: {  	[bflag:$0x3] =	sbarrier.arrive $0xFFFF  }
0x1ef: {  	_ =	shalt  }

</sc_bundles>
